<compile_context>
chip_gen: v7x
topology: tpu7x:2x2x1
jax: 0.10.2.dev20260603
libtpu: 0.0.44.dev20260713+nightly
codegen_flags: <defaults>
</compile_context>

<pallas_src>
import functools

import jax
import jax.numpy as jnp
from jax import lax
from jax.experimental import pallas as pl
from jax.experimental.pallas import tpu as pltpu
from jax.experimental.pallas import tpu_sc as plsc

B = 64
L = 768
D = 768
K_DB = 100000
CH = [9, 100, 300, 500, 768]
KEY_BLK = 4000


ENC_BB = 4


def _stack_taps(x):
    c, n = x.shape
    zero = jnp.zeros((c, 1), jnp.float32)
    right = jnp.concatenate([zero, x[:, :n - 1]], axis=1)
    left = jnp.concatenate([x[:, 1:], zero], axis=1)
    if ENC_BB > 1:
        col = lax.broadcasted_iota(jnp.int32, (c, n), 1)
        lmod = col % L
        right = jnp.where(lmod == 0, 0.0, right)
        left = jnp.where(lmod == L - 1, 0.0, left)
    return jnp.concatenate([right, x, left], axis=0)


def _conv_relu(x, wf, b):
    xs = _stack_taps(x)
    y = jnp.dot(wf, xs, preferred_element_type=jnp.float32)
    return jnp.maximum(y + b[:, None], 0.0)


def _enc_body(x_ref, mm_ref, w1_ref, b1_ref, w2_ref, b2_ref, w3_ref, b3_ref,
              w4_ref, b4_ref, out_ref):
    x = x_ref[0]
    x = jnp.concatenate([x[i] for i in range(ENC_BB)], axis=1)
    x = _conv_relu(x, w1_ref[0], b1_ref[0, 0])
    x = _conv_relu(x, w2_ref[0], b2_ref[0, 0])
    x = _conv_relu(x, w3_ref[0], b3_ref[0, 0])
    x = _conv_relu(x, w4_ref[0], b4_ref[0, 0])
    out_ref[0] = jnp.dot(x, mm_ref[...], preferred_element_type=jnp.float32)


def _search_body(enc_ref, fcw_ref, fcb_ref, keys_ref, out_ref, dist_ref,
                 idx_ref):
    i = pl.program_id(0)

    @pl.when(i == 0)
    def _init():
        w = fcw_ref[...]
        q = lax.dot_general(enc_ref[:B], w[:, :D], (((1,), (1,)), ((), ())),
                            preferred_element_type=jnp.float32)
        q = q + lax.dot_general(enc_ref[B:], w[:, D:],
                                (((1,), (1,)), ((), ())),
                                preferred_element_type=jnp.float32)
        q = q + fcb_ref[0][None, :]
        n = jnp.sqrt(jnp.sum(q * q, axis=1, keepdims=True))
        out_ref[...] = q / jnp.maximum(n, 1e-12)

    s = lax.dot_general(out_ref[...], keys_ref[...], (((1,), (1,)), ((), ())),
                        preferred_element_type=jnp.float32)
    m = jnp.max(s, axis=1)
    col = lax.broadcasted_iota(jnp.int32, s.shape, 1)
    a = jnp.min(jnp.where(s == m[:, None], col, K_DB), axis=1)
    ga = a + i * KEY_BLK

    @pl.when(i == 0)
    def _first():
        dist_ref[0, :] = m
        idx_ref[0, :] = ga

    @pl.when(i > 0)
    def _rest():
        old = dist_ref[0, :]
        upd = m > old
        dist_ref[0, :] = jnp.where(upd, m, old)
        idx_ref[0, :] = jnp.where(upd, ga, idx_ref[0, :])


_GATHER_WORKERS = 8
_ROWS_PER_WORKER = B // _GATHER_WORKERS


def _gather_body(keys_hbm, idx_hbm, out_hbm, idx_v, rows_v, sem):
    wid = lax.axis_index("s") * 2 + lax.axis_index("c")

    @pl.when(wid < _GATHER_WORKERS)
    def _():
        base = wid * _ROWS_PER_WORKER
        pltpu.sync_copy(idx_hbm.at[pl.ds(base, _ROWS_PER_WORKER)], idx_v)
        pltpu.async_copy(keys_hbm.at[idx_v], rows_v, sem).wait()
        pltpu.sync_copy(rows_v, out_hbm.at[pl.ds(base, _ROWS_PER_WORKER)])


def kernel(pos_embeddings, neg_embeddings, pos_w0, pos_b0, pos_w1, pos_b1,
           pos_w2, pos_b2, pos_w3, pos_b3, neg_w0, neg_b0, neg_w1, neg_b1,
           neg_w2, neg_b2, neg_w3, neg_b3, fc_w, fc_b, keys):
    x = jnp.concatenate([pos_embeddings, neg_embeddings], axis=0)
    x = x.reshape(2 * B // ENC_BB, ENC_BB, CH[0], L)

    def stack_w(pw, nw):
        def r(w):
            return jnp.concatenate([w[:, :, 0], w[:, :, 1], w[:, :, 2]],
                                   axis=1)
        return jnp.stack([r(pw), r(nw)])

    ws = [stack_w(pos_w0, neg_w0), stack_w(pos_w1, neg_w1),
          stack_w(pos_w2, neg_w2), stack_w(pos_w3, neg_w3)]
    bs = [jnp.stack([pos_b0, neg_b0])[:, None, :],
          jnp.stack([pos_b1, neg_b1])[:, None, :],
          jnp.stack([pos_b2, neg_b2])[:, None, :],
          jnp.stack([pos_b3, neg_b3])[:, None, :]]

    n_prog = 2 * B // ENC_BB
    sample = lambda g: (g, 0, 0)
    sample4 = lambda g: (g, 0, 0, 0)
    side3 = lambda g: (g // (B // ENC_BB), 0, 0)

    seg = jnp.arange(ENC_BB * L, dtype=jnp.int32) // L
    mm = (seg[:, None] == jnp.arange(ENC_BB, dtype=jnp.int32)[None, :])
    mm = mm.astype(jnp.float32) * (1.0 / L)

    in_specs = [pl.BlockSpec((1, ENC_BB, CH[0], L), sample4),
                pl.BlockSpec((ENC_BB * L, ENC_BB), lambda g: (0, 0))]
    enc_args = [x, mm]
    for li in range(4):
        in_specs.append(pl.BlockSpec((1, CH[li + 1], 3 * CH[li]), side3))
        in_specs.append(pl.BlockSpec((1, 1, CH[li + 1]), side3))
        enc_args.append(ws[li])
        enc_args.append(bs[li])

    encoded = pl.pallas_call(
        _enc_body,
        grid=(n_prog,),
        in_specs=in_specs,
        out_specs=pl.BlockSpec((1, D, ENC_BB), sample),
        out_shape=jax.ShapeDtypeStruct((n_prog, D, ENC_BB), jnp.float32),
    )(*enc_args).transpose(0, 2, 1).reshape(2 * B, D)

    n_blk = K_DB // KEY_BLK
    out, dist2, idx2 = pl.pallas_call(
        _search_body,
        grid=(n_blk,),
        in_specs=[
            pl.BlockSpec((2 * B, D), lambda i: (0, 0)),
            pl.BlockSpec((D, 2 * D), lambda i: (0, 0)),
            pl.BlockSpec((1, D), lambda i: (0, 0)),
            pl.BlockSpec((KEY_BLK, D), lambda i: (i, 0)),
        ],
        out_specs=[
            pl.BlockSpec((B, D), lambda i: (0, 0)),
            pl.BlockSpec((1, B), lambda i: (0, 0)),
            pl.BlockSpec((1, B), lambda i: (0, 0)),
        ],
        out_shape=[
            jax.ShapeDtypeStruct((B, D), jnp.float32),
            jax.ShapeDtypeStruct((1, B), jnp.float32),
            jax.ShapeDtypeStruct((1, B), jnp.int32),
        ],
    )(encoded, fc_w, fc_b.reshape(1, D), keys)

    idx = idx2.reshape(B)
    mesh = plsc.VectorSubcoreMesh(core_axis_name="c", subcore_axis_name="s")
    retrieved = functools.partial(
        pl.kernel,
        mesh=mesh,
        out_type=jax.ShapeDtypeStruct((B, D), jnp.float32),
        scratch_types=[
            pltpu.VMEM((_ROWS_PER_WORKER,), jnp.int32),
            pltpu.VMEM((_ROWS_PER_WORKER, D), jnp.float32),
            pltpu.SemaphoreType.DMA,
        ],
    )(_gather_body)(keys, idx)

    return (out, retrieved, dist2.reshape(B))

# --- scband reference (transcript-rebuilt; emitter-appended) ---
"""Pipeline reference for scband-convolution-search-33097017983246 (READ-ONLY COPY).

The authoritative reference and input builder live on the scoring server;
editing this copy changes nothing except your own understanding.
"""

import jax, jax.numpy as jnp
import numpy as np

B = 64
L = 768
D = 768
K_DB = 100000
CH = [9, 100, 300, 500, 768]


def _conv1d(x, w, b):
    y = jax.lax.conv_general_dilated(x, w, window_strides=(1,), padding=((1, 1),), dimension_numbers=('NCH', 'OIH', 'NCH'))
    return y + b[None, :, None]


def _conv_encoder(x, params):
    for (w, b) in params:
        x = jax.nn.relu(_conv1d(x, w, b))
    return jnp.mean(x, axis=2)


def setup_inputs(seed: int = 0):
    key = jax.random.key(seed)
    inp = {}
    key, k1, k2 = jax.random.split(key, 3)
    inp['pos_embeddings'] = jax.random.normal(k1, (B, CH[0], L), jnp.float32)
    inp['neg_embeddings'] = jax.random.normal(k2, (B, CH[0], L), jnp.float32)
    for pfx in ('pos', 'neg'):
        for i in range(4):
            key, k1 = jax.random.split(key)
            inp[pfx + '_w' + str(i)] = jax.random.normal(k1, (CH[i + 1], CH[i], 3), jnp.float32) * (1.0 / np.sqrt(CH[i] * 3.0))
            inp[pfx + '_b' + str(i)] = jnp.zeros((CH[i + 1],), jnp.float32)
    key, k1, k2 = jax.random.split(key, 3)
    inp['fc_w'] = jax.random.normal(k1, (D, 2 * D), jnp.float32) * (1.0 / np.sqrt(2.0 * D))
    inp['fc_b'] = jnp.zeros((D,), jnp.float32)
    keys_arr = jax.random.normal(k2, (K_DB, D), jnp.float32)
    inp['keys'] = keys_arr / jnp.linalg.norm(keys_arr, axis=1, keepdims=True)
    return inp


def reference(pos_embeddings, neg_embeddings, pos_w0, pos_b0, pos_w1, pos_b1, pos_w2, pos_b2, pos_w3, pos_b3, neg_w0, neg_b0, neg_w1, neg_b1, neg_w2, neg_b2, neg_w3, neg_b3, fc_w, fc_b, keys):
    pos_params = [(pos_w0, pos_b0), (pos_w1, pos_b1), (pos_w2, pos_b2), (pos_w3, pos_b3)]
    neg_params = [(neg_w0, neg_b0), (neg_w1, neg_b1), (neg_w2, neg_b2), (neg_w3, neg_b3)]
    pos_out = _conv_encoder(pos_embeddings, pos_params)
    neg_out = _conv_encoder(neg_embeddings, neg_params)
    cat = jnp.concatenate([pos_out, neg_out], axis=1)
    out = cat @ fc_w.T + fc_b
    out = out / jnp.clip(jnp.linalg.norm(out, axis=1, keepdims=True), 1e-12)
    sims = out @ keys.T
    dist, idx = jax.lax.top_k(sims, 1)
    retrieved = jnp.take(keys, idx[:, 0], axis=0)
    return (out, retrieved, dist[:, 0])

if __name__ == "__main__":
    import jax
    _d = setup_inputs()
    print(jax.jit(kernel)(*tuple(_d.values())))

</pallas_src>

<mosaic_0001>
#map = affine_map<(d0, d1) -> (0, 0)>
#map1 = affine_map<(d0, d1) -> (0)>
module attributes {stable_mosaic.version = 14 : i64} {
  func.func @_gather_body(%arg0: i32, %arg1: i32, %arg2: memref<100000x768xf32, #tpu.memory_space<hbm>>, %arg3: memref<64xi32, #tpu.memory_space<hbm>>, %arg4: memref<64x768xf32, #tpu.memory_space<hbm>>, %arg5: memref<8xi32, #tpu.memory_space<vmem>>, %arg6: memref<8x768xf32, #tpu.memory_space<vmem>>, %arg7: memref<!tpu.dma_semaphore, #tpu.memory_space<semaphore_mem>>) attributes {dimension_semantics = [#tpu.dimension_semantics<core_parallel>, #tpu.dimension_semantics<subcore_parallel>], iteration_bounds = array<i64: 2, 16>, scalar_prefetch = 0 : i64, scratch_operands = 3 : i64, tpu.core_type = #tpu.core_type<sc_vector_subcore>, window_params = [{transform_indices = #map}, {transform_indices = #map1}, {transform_indices = #map}]} {
    %mul3A = arith.constant 2 : i32
    %mul3A_0 = arith.muli %arg1, %mul3A : i32
    %add3A = arith.addi %mul3A_0, %arg0 : i32
    %lt3A = arith.constant 8 : i32
    %lt3A_1 = arith.cmpi slt, %add3A, %lt3A : i32
    %convert_element_type3A = arith.extui %lt3A_1 : i1 to i32
    %cond3A = arith.constant 0 : i32
    %cond3A_2 = arith.cmpi ne, %convert_element_type3A, %cond3A : i32
    scf.if %cond3A_2 {
      %mul3A_3 = arith.constant 8 : i32
      %mul3A_4 = arith.muli %add3A, %mul3A_3 : i32
      "tpu.region"() ({
        %run_scoped3A = tpu.sem_alloc : memref<!tpu.dma_semaphore, #tpu.memory_space<semaphore_mem>>
        %dma_start3A_9 = tpu.memref_slice %arg3[%mul3A_4] : memref<64xi32, #tpu.memory_space<hbm>> -> memref<8xi32, #tpu.memory_space<hbm>>
        %dma_start3A_10 = tpu.memref_slice %arg3[%mul3A_4] : memref<64xi32, #tpu.memory_space<hbm>> -> memref<8xi32, #tpu.memory_space<hbm>>
        tpu.enqueue_dma source(%dma_start3A_10 : memref<8xi32, #tpu.memory_space<hbm>>) target(%arg5 : memref<8xi32, #tpu.memory_space<vmem>>) target_semaphore(%run_scoped3A : memref<!tpu.dma_semaphore, #tpu.memory_space<semaphore_mem>>)
        %dma_wait3A_11 = tpu.memref_slice %arg3[%mul3A_4] : memref<64xi32, #tpu.memory_space<hbm>> -> memref<8xi32, #tpu.memory_space<hbm>>
        %dma_wait3A_12 = tpu.memref_slice %arg3[%mul3A_4] : memref<64xi32, #tpu.memory_space<hbm>> -> memref<8xi32, #tpu.memory_space<hbm>>
        tpu.wait_dma2 semaphore(%run_scoped3A : memref<!tpu.dma_semaphore, #tpu.memory_space<semaphore_mem>>) src(%dma_wait3A_12 : memref<8xi32, #tpu.memory_space<hbm>>) dst(%arg5 : memref<8xi32, #tpu.memory_space<vmem>>)
        tpu.yield
      }) : () -> ()
      %dma_start3A = arith.constant 0 : i32
      %dma_start3A_5 = arith.constant 0 : i32
      %dma_start3A_6 = tpu.memref_slice %arg2[%dma_start3A, %dma_start3A_5] : memref<100000x768xf32, #tpu.memory_space<hbm>> -> memref<100000x768xf32, #tpu.memory_space<hbm>>
      tpu.enqueue_indirect_dma source(%dma_start3A_6 : memref<100000x768xf32, #tpu.memory_space<hbm>>) target(%arg6 : memref<8x768xf32, #tpu.memory_space<vmem>>) offsets(%arg5 : memref<8xi32, #tpu.memory_space<vmem>>) semaphore(%arg7 : memref<!tpu.dma_semaphore, #tpu.memory_space<semaphore_mem>>)
      %dma_wait3A = arith.constant 0 : i32
      %dma_wait3A_7 = arith.constant 0 : i32
      %dma_wait3A_8 = tpu.memref_slice %arg2[%dma_wait3A, %dma_wait3A_7] : memref<100000x768xf32, #tpu.memory_space<hbm>> -> memref<100000x768xf32, #tpu.memory_space<hbm>>
      tpu.wait_indirect_dma semaphore(%arg7 : memref<!tpu.dma_semaphore, #tpu.memory_space<semaphore_mem>>) src(%dma_wait3A_8 : memref<100000x768xf32, #tpu.memory_space<hbm>>) dst(%arg6 : memref<8x768xf32, #tpu.memory_space<vmem>>)
      "tpu.region"() ({
        %run_scoped3A = tpu.sem_alloc : memref<!tpu.dma_semaphore, #tpu.memory_space<semaphore_mem>>
        %dma_start3A_9 = arith.constant 0 : i32
        %dma_start3A_10 = tpu.memref_slice %arg4[%mul3A_4, %dma_start3A_9] : memref<64x768xf32, #tpu.memory_space<hbm>> -> memref<8x768xf32, #tpu.memory_space<hbm>>
        %dma_start3A_11 = arith.constant 0 : i32
        %dma_start3A_12 = tpu.memref_slice %arg4[%mul3A_4, %dma_start3A_11] : memref<64x768xf32, #tpu.memory_space<hbm>> -> memref<8x768xf32, #tpu.memory_space<hbm>>
        tpu.enqueue_dma source(%arg6 : memref<8x768xf32, #tpu.memory_space<vmem>>) target(%dma_start3A_12 : memref<8x768xf32, #tpu.memory_space<hbm>>) target_semaphore(%run_scoped3A : memref<!tpu.dma_semaphore, #tpu.memory_space<semaphore_mem>>)
        %dma_wait3A_13 = arith.constant 0 : i32
        %dma_wait3A_14 = tpu.memref_slice %arg4[%mul3A_4, %dma_wait3A_13] : memref<64x768xf32, #tpu.memory_space<hbm>> -> memref<8x768xf32, #tpu.memory_space<hbm>>
        %dma_wait3A_15 = arith.constant 0 : i32
        %dma_wait3A_16 = tpu.memref_slice %arg4[%mul3A_4, %dma_wait3A_15] : memref<64x768xf32, #tpu.memory_space<hbm>> -> memref<8x768xf32, #tpu.memory_space<hbm>>
        tpu.wait_dma2 semaphore(%run_scoped3A : memref<!tpu.dma_semaphore, #tpu.memory_space<semaphore_mem>>) src(%arg6 : memref<8x768xf32, #tpu.memory_space<vmem>>) dst(%dma_wait3A_16 : memref<8x768xf32, #tpu.memory_space<hbm>>)
        tpu.yield
      }) : () -> ()
    } else {
    }
    return
  }
}

module attributes {stable_mosaic.version = 14 : i64} {
  func.func @_enc_body(%arg0: i32, %arg1: memref<1x4x9x768xf32, #tpu.memory_space<vmem>>, %arg2: memref<3072x4xf32, #tpu.memory_space<vmem>>, %arg3: memref<1x100x27xf32, #tpu.memory_space<vmem>>, %arg4: memref<1x1x100xf32, #tpu.memory_space<vmem>>, %arg5: memref<1x300x300xf32, #tpu.memory_space<vmem>>, %arg6: memref<1x1x300xf32, #tpu.memory_space<vmem>>, %arg7: memref<1x500x900xf32, #tpu.memory_space<vmem>>, %arg8: memref<1x1x500xf32, #tpu.memory_space<vmem>>, %arg9: memref<1x768x1500xf32, #tpu.memory_space<vmem>>, %arg10: memref<1x1x768xf32, #tpu.memory_space<vmem>>, %arg11: memref<1x768x4xf32, #tpu.memory_space<vmem>>) attributes {dimension_semantics = [#tpu.dimension_semantics<arbitrary>], iteration_bounds = array<i64: 32>, scalar_prefetch = 0 : i64, scratch_operands = 0 : i64, tpu.core_type = #tpu.core_type<tc>, window_params = [{transform_indices = @transform_0, window_bounds = array<i64: 1, 4, 9, 768>}, {pipeline_mode = #tpu.pipeline_mode<synchronous>, transform_indices = @transform_1, window_bounds = array<i64: 3072, 4>}, {transform_indices = @transform_2, window_bounds = array<i64: 1, 100, 27>}, {transform_indices = @transform_3, window_bounds = array<i64: 1, 1, 100>}, {transform_indices = @transform_4, window_bounds = array<i64: 1, 300, 300>}, {transform_indices = @transform_5, window_bounds = array<i64: 1, 1, 300>}, {transform_indices = @transform_6, window_bounds = array<i64: 1, 500, 900>}, {transform_indices = @transform_7, window_bounds = array<i64: 1, 1, 500>}, {transform_indices = @transform_8, window_bounds = array<i64: 1, 768, 1500>}, {transform_indices = @transform_9, window_bounds = array<i64: 1, 1, 768>}, {transform_indices = @transform_10, window_bounds = array<i64: 1, 768, 4>}]} {
    %get3A = arith.constant 0 : index
    %get3A_0 = arith.constant 0 : index
    %get3A_1 = arith.constant 0 : index
    %get3A_2 = arith.constant 0 : index
    %get3A_3 = vector.load %arg1[%get3A, %get3A_0, %get3A_1, %get3A_2] : memref<1x4x9x768xf32, #tpu.memory_space<vmem>>, vector<1x4x9x768xf32>
    %get3A_4 = vector.shape_cast %get3A_3 : vector<1x4x9x768xf32> to vector<4x9x768xf32>
    %slice3A = vector.extract_strided_slice %get3A_4 {offsets = [0, 0, 0], sizes = [1, 9, 768], strides = [1, 1, 1]} : vector<4x9x768xf32> to vector<1x9x768xf32>
    %squeeze3A = vector.shape_cast %slice3A : vector<1x9x768xf32> to vector<9x768xf32>
    %slice3A_5 = vector.extract_strided_slice %get3A_4 {offsets = [1, 0, 0], sizes = [1, 9, 768], strides = [1, 1, 1]} : vector<4x9x768xf32> to vector<1x9x768xf32>
    %squeeze3A_6 = vector.shape_cast %slice3A_5 : vector<1x9x768xf32> to vector<9x768xf32>
    %slice3A_7 = vector.extract_strided_slice %get3A_4 {offsets = [2, 0, 0], sizes = [1, 9, 768], strides = [1, 1, 1]} : vector<4x9x768xf32> to vector<1x9x768xf32>
    %squeeze3A_8 = vector.shape_cast %slice3A_7 : vector<1x9x768xf32> to vector<9x768xf32>
    %slice3A_9 = vector.extract_strided_slice %get3A_4 {offsets = [3, 0, 0], sizes = [1, 9, 768], strides = [1, 1, 1]} : vector<4x9x768xf32> to vector<1x9x768xf32>
    %squeeze3A_10 = vector.shape_cast %slice3A_9 : vector<1x9x768xf32> to vector<9x768xf32>
    %concatenate3A = tpu.concatenate %squeeze3A, %squeeze3A_6, %squeeze3A_8, %squeeze3A_10 in 1 : vector<9x768xf32>, vector<9x768xf32>, vector<9x768xf32>, vector<9x768xf32> -> vector<9x3072xf32>
    %get3A_11 = arith.constant 0 : index
    %get3A_12 = arith.constant 0 : index
    %get3A_13 = arith.constant 0 : index
    %get3A_14 = vector.load %arg3[%get3A_11, %get3A_12, %get3A_13] : memref<1x100x27xf32, #tpu.memory_space<vmem>>, vector<1x100x27xf32>
    %get3A_15 = vector.shape_cast %get3A_14 : vector<1x100x27xf32> to vector<100x27xf32>
    %get3A_16 = arith.constant 0 : index
    %get3A_17 = arith.constant 0 : index
    %get3A_18 = arith.constant 0 : index
    %get3A_19 = vector.load %arg4[%get3A_16, %get3A_17, %get3A_18] : memref<1x1x100xf32, #tpu.memory_space<vmem>>, vector<1x1x100xf32>
    %get3A_20 = vector.shape_cast %get3A_19 : vector<1x1x100xf32> to vector<100xf32>
    %broadcast_in_dim3A = arith.constant 0.000000e+00 : f32
    %broadcast_in_dim3A_21 = vector.broadcast %broadcast_in_dim3A : f32 to vector<9x1xf32>
    %slice3A_22 = vector.extract_strided_slice %concatenate3A {offsets = [0, 0], sizes = [9, 3071], strides = [1, 1]} : vector<9x3072xf32> to vector<9x3071xf32>
    %concatenate3A_23 = tpu.concatenate %broadcast_in_dim3A_21, %slice3A_22 in 1 : vector<9x1xf32>, vector<9x3071xf32> -> vector<9x3072xf32>
    %slice3A_24 = vector.extract_strided_slice %concatenate3A {offsets = [0, 1], sizes = [9, 3071], strides = [1, 1]} : vector<9x3072xf32> to vector<9x3071xf32>
    %concatenate3A_25 = tpu.concatenate %slice3A_24, %broadcast_in_dim3A_21 in 1 : vector<9x3071xf32>, vector<9x1xf32> -> vector<9x3072xf32>
    %iota3A = tpu.iota {dimensions = array<i32: 1>} : vector<9x3072xi32>
    %jit3A = arith.constant 768 : i32
    %eq3A = arith.constant 0 : i32
    %eq3A_26 = arith.cmpi eq, %jit3A, %eq3A : i32
    %jit3A_27 = arith.constant 1 : i32
    %select_n3A = arith.select %eq3A_26, %jit3A_27, %jit3A : i32
    %rem3A = vector.broadcast %select_n3A : i32 to vector<9x3072xi32>
    %rem3A_28 = arith.remsi %iota3A, %rem3A : vector<9x3072xi32>
    %ne3A = arith.constant 0 : i32
    %ne3A_29 = vector.broadcast %ne3A : i32 to vector<9x3072xi32>
    %ne3A_30 = arith.cmpi ne, %rem3A_28, %ne3A_29 : vector<9x3072xi32>
    %lt3A = arith.constant 0 : i32
    %lt3A_31 = vector.broadcast %lt3A : i32 to vector<9x3072xi32>
    %lt3A_32 = arith.cmpi slt, %rem3A_28, %lt3A_31 : vector<9x3072xi32>
    %lt3A_33 = arith.constant 0 : i32
    %lt3A_34 = arith.cmpi slt, %select_n3A, %lt3A_33 : i32
    %ne3A_35 = vector.broadcast %lt3A_34 : i1 to vector<9x3072xi1>
    %ne3A_36 = vector.broadcast %ne3A_35 : vector<9x3072xi1> to vector<9x3072xi1>
    %ne3A_37 = arith.xori %lt3A_32, %ne3A_36 : vector<9x3072xi1>
    %and3A = arith.andi %ne3A_37, %ne3A_30 : vector<9x3072xi1>
    %add3A = vector.broadcast %select_n3A : i32 to vector<9x3072xi32>
    %add3A_38 = arith.addi %rem3A_28, %add3A : vector<9x3072xi32>
    %select_n3A_39 = arith.select %and3A, %add3A_38, %rem3A_28 : vector<9x3072xi1>, vector<9x3072xi32>
    %eq3A_40 = arith.constant 0 : i32
    %eq3A_41 = vector.broadcast %eq3A_40 : i32 to vector<9x3072xi32>
    %eq3A_42 = arith.cmpi eq, %select_n3A_39, %eq3A_41 : vector<9x3072xi32>
    %jit3A_43 = arith.constant 0.000000e+00 : f32
    %broadcast_in_dim3A_44 = vector.broadcast %jit3A_43 : f32 to vector<9x3072xf32>
    %select_n3A_45 = arith.select %eq3A_42, %broadcast_in_dim3A_44, %concatenate3A_23 : vector<9x3072xi1>, vector<9x3072xf32>
    %eq3A_46 = arith.constant 767 : i32
    %eq3A_47 = vector.broadcast %eq3A_46 : i32 to vector<9x3072xi32>
    %eq3A_48 = arith.cmpi eq, %select_n3A_39, %eq3A_47 : vector<9x3072xi32>
    %jit3A_49 = arith.constant 0.000000e+00 : f32
    %broadcast_in_dim3A_50 = vector.broadcast %jit3A_49 : f32 to vector<9x3072xf32>
    %select_n3A_51 = arith.select %eq3A_48, %broadcast_in_dim3A_50, %concatenate3A_25 : vector<9x3072xi1>, vector<9x3072xf32>
    %concatenate3A_52 = tpu.concatenate %select_n3A_45, %concatenate3A, %select_n3A_51 in 0 : vector<9x3072xf32>, vector<9x3072xf32>, vector<9x3072xf32> -> vector<27x3072xf32>
    %dot_general3A = arith.constant dense<0.000000e+00> : vector<100x3072xf32>
    %dot_general3A_53 = tpu.matmul %get3A_15, %concatenate3A_52, %dot_general3A {dimension_numbers = #tpu.dot_dimension_numbers<[1], [0], [0], [1], [0, 0, 1, 1], [], []>, transpose_lhs_hint = false} : vector<100x27xf32>, vector<27x3072xf32>, vector<100x3072xf32> -> vector<100x3072xf32>
    %broadcast_in_dim3A_54 = vector.shape_cast %get3A_20 : vector<100xf32> to vector<100x1xf32>
    %add3A_55 = vector.broadcast %broadcast_in_dim3A_54 : vector<100x1xf32> to vector<100x3072xf32>
    %add3A_56 = arith.addf %dot_general3A_53, %add3A_55 : vector<100x3072xf32>
    %max3A = arith.constant 0.000000e+00 : f32
    %max3A_57 = vector.broadcast %max3A : f32 to vector<100x3072xf32>
    %max3A_58 = arith.maximumf %add3A_56, %max3A_57 : vector<100x3072xf32>
    %get3A_59 = arith.constant 0 : index
    %get3A_60 = arith.constant 0 : index
    %get3A_61 = arith.constant 0 : index
    %get3A_62 = vector.load %arg5[%get3A_59, %get3A_60, %get3A_61] : memref<1x300x300xf32, #tpu.memory_space<vmem>>, vector<1x300x300xf32>
    %get3A_63 = vector.shape_cast %get3A_62 : vector<1x300x300xf32> to vector<300x300xf32>
    %get3A_64 = arith.constant 0 : index
    %get3A_65 = arith.constant 0 : index
    %get3A_66 = arith.constant 0 : index
    %get3A_67 = vector.load %arg6[%get3A_64, %get3A_65, %get3A_66] : memref<1x1x300xf32, #tpu.memory_space<vmem>>, vector<1x1x300xf32>
    %get3A_68 = vector.shape_cast %get3A_67 : vector<1x1x300xf32> to vector<300xf32>
    %broadcast_in_dim3A_69 = arith.constant 0.000000e+00 : f32
    %broadcast_in_dim3A_70 = vector.broadcast %broadcast_in_dim3A_69 : f32 to vector<100x1xf32>
    %slice3A_71 = vector.extract_strided_slice %max3A_58 {offsets = [0, 0], sizes = [100, 3071], strides = [1, 1]} : vector<100x3072xf32> to vector<100x3071xf32>
    %concatenate3A_72 = tpu.concatenate %broadcast_in_dim3A_70, %slice3A_71 in 1 : vector<100x1xf32>, vector<100x3071xf32> -> vector<100x3072xf32>
    %slice3A_73 = vector.extract_strided_slice %max3A_58 {offsets = [0, 1], sizes = [100, 3071], strides = [1, 1]} : vector<100x3072xf32> to vector<100x3071xf32>
    %concatenate3A_74 = tpu.concatenate %slice3A_73, %broadcast_in_dim3A_70 in 1 : vector<100x3071xf32>, vector<100x1xf32> -> vector<100x3072xf32>
    %iota3A_75 = tpu.iota {dimensions = array<i32: 1>} : vector<100x3072xi32>
    %jit3A_76 = arith.constant 768 : i32
    %eq3A_77 = arith.constant 0 : i32
    %eq3A_78 = arith.cmpi eq, %jit3A_76, %eq3A_77 : i32
    %jit3A_79 = arith.constant 1 : i32
    %select_n3A_80 = arith.select %eq3A_78, %jit3A_79, %jit3A_76 : i32
    %rem3A_81 = vector.broadcast %select_n3A_80 : i32 to vector<100x3072xi32>
    %rem3A_82 = arith.remsi %iota3A_75, %rem3A_81 : vector<100x3072xi32>
    %ne3A_83 = arith.constant 0 : i32
    %ne3A_84 = vector.broadcast %ne3A_83 : i32 to vector<100x3072xi32>
    %ne3A_85 = arith.cmpi ne, %rem3A_82, %ne3A_84 : vector<100x3072xi32>
    %lt3A_86 = arith.constant 0 : i32
    %lt3A_87 = vector.broadcast %lt3A_86 : i32 to vector<100x3072xi32>
    %lt3A_88 = arith.cmpi slt, %rem3A_82, %lt3A_87 : vector<100x3072xi32>
    %lt3A_89 = arith.constant 0 : i32
    %lt3A_90 = arith.cmpi slt, %select_n3A_80, %lt3A_89 : i32
    %ne3A_91 = vector.broadcast %lt3A_90 : i1 to vector<100x3072xi1>
    %ne3A_92 = vector.broadcast %ne3A_91 : vector<100x3072xi1> to vector<100x3072xi1>
    %ne3A_93 = arith.xori %lt3A_88, %ne3A_92 : vector<100x3072xi1>
    %and3A_94 = arith.andi %ne3A_93, %ne3A_85 : vector<100x3072xi1>
    %add3A_95 = vector.broadcast %select_n3A_80 : i32 to vector<100x3072xi32>
    %add3A_96 = arith.addi %rem3A_82, %add3A_95 : vector<100x3072xi32>
    %select_n3A_97 = arith.select %and3A_94, %add3A_96, %rem3A_82 : vector<100x3072xi1>, vector<100x3072xi32>
    %eq3A_98 = arith.constant 0 : i32
    %eq3A_99 = vector.broadcast %eq3A_98 : i32 to vector<100x3072xi32>
    %eq3A_100 = arith.cmpi eq, %select_n3A_97, %eq3A_99 : vector<100x3072xi32>
    %jit3A_101 = arith.constant 0.000000e+00 : f32
    %broadcast_in_dim3A_102 = vector.broadcast %jit3A_101 : f32 to vector<100x3072xf32>
    %select_n3A_103 = arith.select %eq3A_100, %broadcast_in_dim3A_102, %concatenate3A_72 : vector<100x3072xi1>, vector<100x3072xf32>
    %eq3A_104 = arith.constant 767 : i32
    %eq3A_105 = vector.broadcast %eq3A_104 : i32 to vector<100x3072xi32>
    %eq3A_106 = arith.cmpi eq, %select_n3A_97, %eq3A_105 : vector<100x3072xi32>
    %jit3A_107 = arith.constant 0.000000e+00 : f32
    %broadcast_in_dim3A_108 = vector.broadcast %jit3A_107 : f32 to vector<100x3072xf32>
    %select_n3A_109 = arith.select %eq3A_106, %broadcast_in_dim3A_108, %concatenate3A_74 : vector<100x3072xi1>, vector<100x3072xf32>
    %concatenate3A_110 = tpu.concatenate %select_n3A_103, %max3A_58, %select_n3A_109 in 0 : vector<100x3072xf32>, vector<100x3072xf32>, vector<100x3072xf32> -> vector<300x3072xf32>
    %dot_general3A_111 = arith.constant dense<0.000000e+00> : vector<300x3072xf32>
    %dot_general3A_112 = tpu.matmul %get3A_63, %concatenate3A_110, %dot_general3A_111 {dimension_numbers = #tpu.dot_dimension_numbers<[1], [0], [0], [1], [0, 0, 1, 1], [], []>, transpose_lhs_hint = false} : vector<300x300xf32>, vector<300x3072xf32>, vector<300x3072xf32> -> vector<300x3072xf32>
    %broadcast_in_dim3A_113 = vector.shape_cast %get3A_68 : vector<300xf32> to vector<300x1xf32>
    %add3A_114 = vector.broadcast %broadcast_in_dim3A_113 : vector<300x1xf32> to vector<300x3072xf32>
    %add3A_115 = arith.addf %dot_general3A_112, %add3A_114 : vector<300x3072xf32>
    %max3A_116 = arith.constant 0.000000e+00 : f32
    %max3A_117 = vector.broadcast %max3A_116 : f32 to vector<300x3072xf32>
    %max3A_118 = arith.maximumf %add3A_115, %max3A_117 : vector<300x3072xf32>
    %get3A_119 = arith.constant 0 : index
    %get3A_120 = arith.constant 0 : index
    %get3A_121 = arith.constant 0 : index
    %get3A_122 = vector.load %arg7[%get3A_119, %get3A_120, %get3A_121] : memref<1x500x900xf32, #tpu.memory_space<vmem>>, vector<1x500x900xf32>
    %get3A_123 = vector.shape_cast %get3A_122 : vector<1x500x900xf32> to vector<500x900xf32>
    %get3A_124 = arith.constant 0 : index
    %get3A_125 = arith.constant 0 : index
    %get3A_126 = arith.constant 0 : index
    %get3A_127 = vector.load %arg8[%get3A_124, %get3A_125, %get3A_126] : memref<1x1x500xf32, #tpu.memory_space<vmem>>, vector<1x1x500xf32>
    %get3A_128 = vector.shape_cast %get3A_127 : vector<1x1x500xf32> to vector<500xf32>
    %broadcast_in_dim3A_129 = arith.constant 0.000000e+00 : f32
    %broadcast_in_dim3A_130 = vector.broadcast %broadcast_in_dim3A_129 : f32 to vector<300x1xf32>
    %slice3A_131 = vector.extract_strided_slice %max3A_118 {offsets = [0, 0], sizes = [300, 3071], strides = [1, 1]} : vector<300x3072xf32> to vector<300x3071xf32>
    %concatenate3A_132 = tpu.concatenate %broadcast_in_dim3A_130, %slice3A_131 in 1 : vector<300x1xf32>, vector<300x3071xf32> -> vector<300x3072xf32>
    %slice3A_133 = vector.extract_strided_slice %max3A_118 {offsets = [0, 1], sizes = [300, 3071], strides = [1, 1]} : vector<300x3072xf32> to vector<300x3071xf32>
    %concatenate3A_134 = tpu.concatenate %slice3A_133, %broadcast_in_dim3A_130 in 1 : vector<300x3071xf32>, vector<300x1xf32> -> vector<300x3072xf32>
    %iota3A_135 = tpu.iota {dimensions = array<i32: 1>} : vector<300x3072xi32>
    %jit3A_136 = arith.constant 768 : i32
    %eq3A_137 = arith.constant 0 : i32
    %eq3A_138 = arith.cmpi eq, %jit3A_136, %eq3A_137 : i32
    %jit3A_139 = arith.constant 1 : i32
    %select_n3A_140 = arith.select %eq3A_138, %jit3A_139, %jit3A_136 : i32
    %rem3A_141 = vector.broadcast %select_n3A_140 : i32 to vector<300x3072xi32>
    %rem3A_142 = arith.remsi %iota3A_135, %rem3A_141 : vector<300x3072xi32>
    %ne3A_143 = arith.constant 0 : i32
    %ne3A_144 = vector.broadcast %ne3A_143 : i32 to vector<300x3072xi32>
    %ne3A_145 = arith.cmpi ne, %rem3A_142, %ne3A_144 : vector<300x3072xi32>
    %lt3A_146 = arith.constant 0 : i32
    %lt3A_147 = vector.broadcast %lt3A_146 : i32 to vector<300x3072xi32>
    %lt3A_148 = arith.cmpi slt, %rem3A_142, %lt3A_147 : vector<300x3072xi32>
    %lt3A_149 = arith.constant 0 : i32
    %lt3A_150 = arith.cmpi slt, %select_n3A_140, %lt3A_149 : i32
    %ne3A_151 = vector.broadcast %lt3A_150 : i1 to vector<300x3072xi1>
    %ne3A_152 = vector.broadcast %ne3A_151 : vector<300x3072xi1> to vector<300x3072xi1>
    %ne3A_153 = arith.xori %lt3A_148, %ne3A_152 : vector<300x3072xi1>
    %and3A_154 = arith.andi %ne3A_153, %ne3A_145 : vector<300x3072xi1>
    %add3A_155 = vector.broadcast %select_n3A_140 : i32 to vector<300x3072xi32>
    %add3A_156 = arith.addi %rem3A_142, %add3A_155 : vector<300x3072xi32>
    %select_n3A_157 = arith.select %and3A_154, %add3A_156, %rem3A_142 : vector<300x3072xi1>, vector<300x3072xi32>
    %eq3A_158 = arith.constant 0 : i32
    %eq3A_159 = vector.broadcast %eq3A_158 : i32 to vector<300x3072xi32>
    %eq3A_160 = arith.cmpi eq, %select_n3A_157, %eq3A_159 : vector<300x3072xi32>
    %jit3A_161 = arith.constant 0.000000e+00 : f32
    %broadcast_in_dim3A_162 = vector.broadcast %jit3A_161 : f32 to vector<300x3072xf32>
    %select_n3A_163 = arith.select %eq3A_160, %broadcast_in_dim3A_162, %concatenate3A_132 : vector<300x3072xi1>, vector<300x3072xf32>
    %eq3A_164 = arith.constant 767 : i32
    %eq3A_165 = vector.broadcast %eq3A_164 : i32 to vector<300x3072xi32>
    %eq3A_166 = arith.cmpi eq, %select_n3A_157, %eq3A_165 : vector<300x3072xi32>
    %jit3A_167 = arith.constant 0.000000e+00 : f32
    %broadcast_in_dim3A_168 = vector.broadcast %jit3A_167 : f32 to vector<300x3072xf32>
    %select_n3A_169 = arith.select %eq3A_166, %broadcast_in_dim3A_168, %concatenate3A_134 : vector<300x3072xi1>, vector<300x3072xf32>
    %concatenate3A_170 = tpu.concatenate %select_n3A_163, %max3A_118, %select_n3A_169 in 0 : vector<300x3072xf32>, vector<300x3072xf32>, vector<300x3072xf32> -> vector<900x3072xf32>
    %dot_general3A_171 = arith.constant dense<0.000000e+00> : vector<500x3072xf32>
    %dot_general3A_172 = tpu.matmul %get3A_123, %concatenate3A_170, %dot_general3A_171 {dimension_numbers = #tpu.dot_dimension_numbers<[1], [0], [0], [1], [0, 0, 1, 1], [], []>, transpose_lhs_hint = false} : vector<500x900xf32>, vector<900x3072xf32>, vector<500x3072xf32> -> vector<500x3072xf32>
    %broadcast_in_dim3A_173 = vector.shape_cast %get3A_128 : vector<500xf32> to vector<500x1xf32>
    %add3A_174 = vector.broadcast %broadcast_in_dim3A_173 : vector<500x1xf32> to vector<500x3072xf32>
    %add3A_175 = arith.addf %dot_general3A_172, %add3A_174 : vector<500x3072xf32>
    %max3A_176 = arith.constant 0.000000e+00 : f32
    %max3A_177 = vector.broadcast %max3A_176 : f32 to vector<500x3072xf32>
    %max3A_178 = arith.maximumf %add3A_175, %max3A_177 : vector<500x3072xf32>
    %get3A_179 = arith.constant 0 : index
    %get3A_180 = arith.constant 0 : index
    %get3A_181 = arith.constant 0 : index
    %get3A_182 = vector.load %arg9[%get3A_179, %get3A_180, %get3A_181] : memref<1x768x1500xf32, #tpu.memory_space<vmem>>, vector<1x768x1500xf32>
    %get3A_183 = vector.shape_cast %get3A_182 : vector<1x768x1500xf32> to vector<768x1500xf32>
    %get3A_184 = arith.constant 0 : index
    %get3A_185 = arith.constant 0 : index
    %get3A_186 = arith.constant 0 : index
    %get3A_187 = vector.load %arg10[%get3A_184, %get3A_185, %get3A_186] : memref<1x1x768xf32, #tpu.memory_space<vmem>>, vector<1x1x768xf32>
    %get3A_188 = vector.shape_cast %get3A_187 : vector<1x1x768xf32> to vector<768xf32>
    %broadcast_in_dim3A_189 = arith.constant 0.000000e+00 : f32
    %broadcast_in_dim3A_190 = vector.broadcast %broadcast_in_dim3A_189 : f32 to vector<500x1xf32>
    %slice3A_191 = vector.extract_strided_slice %max3A_178 {offsets = [0, 0], sizes = [500, 3071], strides = [1, 1]} : vector<500x3072xf32> to vector<500x3071xf32>
    %concatenate3A_192 = tpu.concatenate %broadcast_in_dim3A_190, %slice3A_191 in 1 : vector<500x1xf32>, vector<500x3071xf32> -> vector<500x3072xf32>
    %slice3A_193 = vector.extract_strided_slice %max3A_178 {offsets = [0, 1], sizes = [500, 3071], strides = [1, 1]} : vector<500x3072xf32> to vector<500x3071xf32>
    %concatenate3A_194 = tpu.concatenate %slice3A_193, %broadcast_in_dim3A_190 in 1 : vector<500x3071xf32>, vector<500x1xf32> -> vector<500x3072xf32>
    %iota3A_195 = tpu.iota {dimensions = array<i32: 1>} : vector<500x3072xi32>
    %jit3A_196 = arith.constant 768 : i32
    %eq3A_197 = arith.constant 0 : i32
    %eq3A_198 = arith.cmpi eq, %jit3A_196, %eq3A_197 : i32
    %jit3A_199 = arith.constant 1 : i32
    %select_n3A_200 = arith.select %eq3A_198, %jit3A_199, %jit3A_196 : i32
    %rem3A_201 = vector.broadcast %select_n3A_200 : i32 to vector<500x3072xi32>
    %rem3A_202 = arith.remsi %iota3A_195, %rem3A_201 : vector<500x3072xi32>
    %ne3A_203 = arith.constant 0 : i32
    %ne3A_204 = vector.broadcast %ne3A_203 : i32 to vector<500x3072xi32>
    %ne3A_205 = arith.cmpi ne, %rem3A_202, %ne3A_204 : vector<500x3072xi32>
    %lt3A_206 = arith.constant 0 : i32
    %lt3A_207 = vector.broadcast %lt3A_206 : i32 to vector<500x3072xi32>
    %lt3A_208 = arith.cmpi slt, %rem3A_202, %lt3A_207 : vector<500x3072xi32>
    %lt3A_209 = arith.constant 0 : i32
    %lt3A_210 = arith.cmpi slt, %select_n3A_200, %lt3A_209 : i32
    %ne3A_211 = vector.broadcast %lt3A_210 : i1 to vector<500x3072xi1>
    %ne3A_212 = vector.broadcast %ne3A_211 : vector<500x3072xi1> to vector<500x3072xi1>
    %ne3A_213 = arith.xori %lt3A_208, %ne3A_212 : vector<500x3072xi1>
    %and3A_214 = arith.andi %ne3A_213, %ne3A_205 : vector<500x3072xi1>
    %add3A_215 = vector.broadcast %select_n3A_200 : i32 to vector<500x3072xi32>
    %add3A_216 = arith.addi %rem3A_202, %add3A_215 : vector<500x3072xi32>
    %select_n3A_217 = arith.select %and3A_214, %add3A_216, %rem3A_202 : vector<500x3072xi1>, vector<500x3072xi32>
    %eq3A_218 = arith.constant 0 : i32
    %eq3A_219 = vector.broadcast %eq3A_218 : i32 to vector<500x3072xi32>
    %eq3A_220 = arith.cmpi eq, %select_n3A_217, %eq3A_219 : vector<500x3072xi32>
    %jit3A_221 = arith.constant 0.000000e+00 : f32
    %broadcast_in_dim3A_222 = vector.broadcast %jit3A_221 : f32 to vector<500x3072xf32>
    %select_n3A_223 = arith.select %eq3A_220, %broadcast_in_dim3A_222, %concatenate3A_192 : vector<500x3072xi1>, vector<500x3072xf32>
    %eq3A_224 = arith.constant 767 : i32
    %eq3A_225 = vector.broadcast %eq3A_224 : i32 to vector<500x3072xi32>
    %eq3A_226 = arith.cmpi eq, %select_n3A_217, %eq3A_225 : vector<500x3072xi32>
    %jit3A_227 = arith.constant 0.000000e+00 : f32
    %broadcast_in_dim3A_228 = vector.broadcast %jit3A_227 : f32 to vector<500x3072xf32>
    %select_n3A_229 = arith.select %eq3A_226, %broadcast_in_dim3A_228, %concatenate3A_194 : vector<500x3072xi1>, vector<500x3072xf32>
    %concatenate3A_230 = tpu.concatenate %select_n3A_223, %max3A_178, %select_n3A_229 in 0 : vector<500x3072xf32>, vector<500x3072xf32>, vector<500x3072xf32> -> vector<1500x3072xf32>
    %dot_general3A_231 = arith.constant dense<0.000000e+00> : vector<768x3072xf32>
    %dot_general3A_232 = tpu.matmul %get3A_183, %concatenate3A_230, %dot_general3A_231 {dimension_numbers = #tpu.dot_dimension_numbers<[1], [0], [0], [1], [0, 0, 1, 1], [], []>, transpose_lhs_hint = false} : vector<768x1500xf32>, vector<1500x3072xf32>, vector<768x3072xf32> -> vector<768x3072xf32>
    %broadcast_in_dim3A_233 = vector.shape_cast %get3A_188 : vector<768xf32> to vector<768x1xf32>
    %add3A_234 = vector.broadcast %broadcast_in_dim3A_233 : vector<768x1xf32> to vector<768x3072xf32>
    %add3A_235 = arith.addf %dot_general3A_232, %add3A_234 : vector<768x3072xf32>
    %max3A_236 = arith.constant 0.000000e+00 : f32
    %max3A_237 = vector.broadcast %max3A_236 : f32 to vector<768x3072xf32>
    %max3A_238 = arith.maximumf %add3A_235, %max3A_237 : vector<768x3072xf32>
    %get3A_239 = arith.constant 0 : index
    %get3A_240 = arith.constant 0 : index
    %get3A_241 = vector.load %arg2[%get3A_239, %get3A_240] : memref<3072x4xf32, #tpu.memory_space<vmem>>, vector<3072x4xf32>
    %dot_general3A_242 = arith.constant dense<0.000000e+00> : vector<768x4xf32>
    %dot_general3A_243 = tpu.matmul %max3A_238, %get3A_241, %dot_general3A_242 {dimension_numbers = #tpu.dot_dimension_numbers<[1], [0], [0], [1], [0, 0, 1, 1], [], []>, transpose_lhs_hint = false} : vector<768x3072xf32>, vector<3072x4xf32>, vector<768x4xf32> -> vector<768x4xf32>
    %swap3A = arith.constant 0 : index
    %swap3A_244 = arith.constant 0 : index
    %swap3A_245 = arith.constant 0 : index
    %swap3A_246 = vector.load %arg11[%swap3A, %swap3A_244, %swap3A_245] : memref<1x768x4xf32, #tpu.memory_space<vmem>>, vector<1x768x4xf32>
    %swap3A_247 = vector.shape_cast %swap3A_246 : vector<1x768x4xf32> to vector<768x4xf32>
    %swap3A_248 = vector.shape_cast %dot_general3A_243 : vector<768x4xf32> to vector<1x768x4xf32>
    tpu.vector_store %arg11[%swap3A, %swap3A_244, %swap3A_245], %swap3A_248 {strides = array<i32>} : memref<1x768x4xf32, #tpu.memory_space<vmem>>, vector<1x768x4xf32>,
    return
  }
  func.func @transform_0(%arg0: i32) -> (i32, i32, i32, i32) {
    %c0_i32 = arith.constant 0 : i32
    %c0_i32_0 = arith.constant 0 : i32
    %c0_i32_1 = arith.constant 0 : i32
    %c0_i32_2 = arith.constant 0 : i32
    return %arg0, %c0_i32, %c0_i32_0, %c0_i32_1 : i32, i32, i32, i32
  }
  func.func @transform_1(%arg0: i32) -> (i32, i32) {
    %c0_i32 = arith.constant 0 : i32
    %c0_i32_0 = arith.constant 0 : i32
    %c0_i32_1 = arith.constant 0 : i32
    return %c0_i32, %c0_i32_0 : i32, i32
  }
  func.func @transform_2(%arg0: i32) -> (i32, i32, i32) {
    %jit3A = arith.constant 16 : i32
    %div3A = arith.divsi %arg0, %jit3A : i32
    %sign3A = arith.constant 0 : i32
    %sign3A_0 = arith.cmpi sgt, %arg0, %sign3A : i32
    %sign3A_1 = arith.extui %sign3A_0 : i1 to i32
    %sign3A_2 = arith.constant 0 : i32
    %sign3A_3 = arith.cmpi slt, %arg0, %sign3A_2 : i32
    %sign3A_4 = arith.extui %sign3A_3 : i1 to i32
    %sign3A_5 = arith.subi %sign3A_1, %sign3A_4 : i32
    %sign3A_6 = arith.constant 0 : i32
    %sign3A_7 = arith.cmpi sgt, %jit3A, %sign3A_6 : i32
    %sign3A_8 = arith.extui %sign3A_7 : i1 to i32
    %sign3A_9 = arith.constant 0 : i32
    %sign3A_10 = arith.cmpi slt, %jit3A, %sign3A_9 : i32
    %sign3A_11 = arith.extui %sign3A_10 : i1 to i32
    %sign3A_12 = arith.subi %sign3A_8, %sign3A_11 : i32
    %ne3A = arith.cmpi ne, %sign3A_5, %sign3A_12 : i32
    %rem3A = arith.remsi %arg0, %jit3A : i32
    %ne3A_13 = arith.constant 0 : i32
    %ne3A_14 = arith.cmpi ne, %rem3A, %ne3A_13 : i32
    %and3A = arith.andi %ne3A, %ne3A_14 : i1
    %sub3A = arith.constant 1 : i32
    %sub3A_15 = arith.subi %div3A, %sub3A : i32
    %select_n3A = arith.select %and3A, %sub3A_15, %div3A : i32
    %c0_i32 = arith.constant 0 : i32
    %c0_i32_16 = arith.constant 0 : i32
    %c0_i32_17 = arith.constant 0 : i32
    return %select_n3A, %c0_i32, %c0_i32_16 : i32, i32, i32
  }
  func.func @transform_3(%arg0: i32) -> (i32, i32, i32) {
    %jit3A = arith.constant 16 : i32
    %div3A = arith.divsi %arg0, %jit3A : i32
    %sign3A = arith.constant 0 : i32
    %sign3A_0 = arith.cmpi sgt, %arg0, %sign3A : i32
    %sign3A_1 = arith.extui %sign3A_0 : i1 to i32
    %sign3A_2 = arith.constant 0 : i32
    %sign3A_3 = arith.cmpi slt, %arg0, %sign3A_2 : i32
    %sign3A_4 = arith.extui %sign3A_3 : i1 to i32
    %sign3A_5 = arith.subi %sign3A_1, %sign3A_4 : i32
    %sign3A_6 = arith.constant 0 : i32
    %sign3A_7 = arith.cmpi sgt, %jit3A, %sign3A_6 : i32
    %sign3A_8 = arith.extui %sign3A_7 : i1 to i32
    %sign3A_9 = arith.constant 0 : i32
    %sign3A_10 = arith.cmpi slt, %jit3A, %sign3A_9 : i32
    %sign3A_11 = arith.extui %sign3A_10 : i1 to i32
    %sign3A_12 = arith.subi %sign3A_8, %sign3A_11 : i32
    %ne3A = arith.cmpi ne, %sign3A_5, %sign3A_12 : i32
    %rem3A = arith.remsi %arg0, %jit3A : i32
    %ne3A_13 = arith.constant 0 : i32
    %ne3A_14 = arith.cmpi ne, %rem3A, %ne3A_13 : i32
    %and3A = arith.andi %ne3A, %ne3A_14 : i1
    %sub3A = arith.constant 1 : i32
    %sub3A_15 = arith.subi %div3A, %sub3A : i32
    %select_n3A = arith.select %and3A, %sub3A_15, %div3A : i32
    %c0_i32 = arith.constant 0 : i32
    %c0_i32_16 = arith.constant 0 : i32
    %c0_i32_17 = arith.constant 0 : i32
    return %select_n3A, %c0_i32, %c0_i32_16 : i32, i32, i32
  }
  func.func @transform_4(%arg0: i32) -> (i32, i32, i32) {
    %jit3A = arith.constant 16 : i32
    %div3A = arith.divsi %arg0, %jit3A : i32
    %sign3A = arith.constant 0 : i32
    %sign3A_0 = arith.cmpi sgt, %arg0, %sign3A : i32
    %sign3A_1 = arith.extui %sign3A_0 : i1 to i32
    %sign3A_2 = arith.constant 0 : i32
    %sign3A_3 = arith.cmpi slt, %arg0, %sign3A_2 : i32
    %sign3A_4 = arith.extui %sign3A_3 : i1 to i32
    %sign3A_5 = arith.subi %sign3A_1, %sign3A_4 : i32
    %sign3A_6 = arith.constant 0 : i32
    %sign3A_7 = arith.cmpi sgt, %jit3A, %sign3A_6 : i32
    %sign3A_8 = arith.extui %sign3A_7 : i1 to i32
    %sign3A_9 = arith.constant 0 : i32
    %sign3A_10 = arith.cmpi slt, %jit3A, %sign3A_9 : i32
    %sign3A_11 = arith.extui %sign3A_10 : i1 to i32
    %sign3A_12 = arith.subi %sign3A_8, %sign3A_11 : i32
    %ne3A = arith.cmpi ne, %sign3A_5, %sign3A_12 : i32
    %rem3A = arith.remsi %arg0, %jit3A : i32
    %ne3A_13 = arith.constant 0 : i32
    %ne3A_14 = arith.cmpi ne, %rem3A, %ne3A_13 : i32
    %and3A = arith.andi %ne3A, %ne3A_14 : i1
    %sub3A = arith.constant 1 : i32
    %sub3A_15 = arith.subi %div3A, %sub3A : i32
    %select_n3A = arith.select %and3A, %sub3A_15, %div3A : i32
    %c0_i32 = arith.constant 0 : i32
    %c0_i32_16 = arith.constant 0 : i32
    %c0_i32_17 = arith.constant 0 : i32
    return %select_n3A, %c0_i32, %c0_i32_16 : i32, i32, i32
  }
  func.func @transform_5(%arg0: i32) -> (i32, i32, i32) {
    %jit3A = arith.constant 16 : i32
    %div3A = arith.divsi %arg0, %jit3A : i32
    %sign3A = arith.constant 0 : i32
    %sign3A_0 = arith.cmpi sgt, %arg0, %sign3A : i32
    %sign3A_1 = arith.extui %sign3A_0 : i1 to i32
    %sign3A_2 = arith.constant 0 : i32
    %sign3A_3 = arith.cmpi slt, %arg0, %sign3A_2 : i32
    %sign3A_4 = arith.extui %sign3A_3 : i1 to i32
    %sign3A_5 = arith.subi %sign3A_1, %sign3A_4 : i32
    %sign3A_6 = arith.constant 0 : i32
    %sign3A_7 = arith.cmpi sgt, %jit3A, %sign3A_6 : i32
    %sign3A_8 = arith.extui %sign3A_7 : i1 to i32
    %sign3A_9 = arith.constant 0 : i32
    %sign3A_10 = arith.cmpi slt, %jit3A, %sign3A_9 : i32
    %sign3A_11 = arith.extui %sign3A_10 : i1 to i32
    %sign3A_12 = arith.subi %sign3A_8, %sign3A_11 : i32
    %ne3A = arith.cmpi ne, %sign3A_5, %sign3A_12 : i32
    %rem3A = arith.remsi %arg0, %jit3A : i32
    %ne3A_13 = arith.constant 0 : i32
    %ne3A_14 = arith.cmpi ne, %rem3A, %ne3A_13 : i32
    %and3A = arith.andi %ne3A, %ne3A_14 : i1
    %sub3A = arith.constant 1 : i32
    %sub3A_15 = arith.subi %div3A, %sub3A : i32
    %select_n3A = arith.select %and3A, %sub3A_15, %div3A : i32
    %c0_i32 = arith.constant 0 : i32
    %c0_i32_16 = arith.constant 0 : i32
    %c0_i32_17 = arith.constant 0 : i32
    return %select_n3A, %c0_i32, %c0_i32_16 : i32, i32, i32
  }
  func.func @transform_6(%arg0: i32) -> (i32, i32, i32) {
    %jit3A = arith.constant 16 : i32
    %div3A = arith.divsi %arg0, %jit3A : i32
    %sign3A = arith.constant 0 : i32
    %sign3A_0 = arith.cmpi sgt, %arg0, %sign3A : i32
    %sign3A_1 = arith.extui %sign3A_0 : i1 to i32
    %sign3A_2 = arith.constant 0 : i32
    %sign3A_3 = arith.cmpi slt, %arg0, %sign3A_2 : i32
    %sign3A_4 = arith.extui %sign3A_3 : i1 to i32
    %sign3A_5 = arith.subi %sign3A_1, %sign3A_4 : i32
    %sign3A_6 = arith.constant 0 : i32
    %sign3A_7 = arith.cmpi sgt, %jit3A, %sign3A_6 : i32
    %sign3A_8 = arith.extui %sign3A_7 : i1 to i32
    %sign3A_9 = arith.constant 0 : i32
    %sign3A_10 = arith.cmpi slt, %jit3A, %sign3A_9 : i32
    %sign3A_11 = arith.extui %sign3A_10 : i1 to i32
    %sign3A_12 = arith.subi %sign3A_8, %sign3A_11 : i32
    %ne3A = arith.cmpi ne, %sign3A_5, %sign3A_12 : i32
    %rem3A = arith.remsi %arg0, %jit3A : i32
    %ne3A_13 = arith.constant 0 : i32
    %ne3A_14 = arith.cmpi ne, %rem3A, %ne3A_13 : i32
    %and3A = arith.andi %ne3A, %ne3A_14 : i1
    %sub3A = arith.constant 1 : i32
    %sub3A_15 = arith.subi %div3A, %sub3A : i32
    %select_n3A = arith.select %and3A, %sub3A_15, %div3A : i32
    %c0_i32 = arith.constant 0 : i32
    %c0_i32_16 = arith.constant 0 : i32
    %c0_i32_17 = arith.constant 0 : i32
    return %select_n3A, %c0_i32, %c0_i32_16 : i32, i32, i32
  }
  func.func @transform_7(%arg0: i32) -> (i32, i32, i32) {
    %jit3A = arith.constant 16 : i32
    %div3A = arith.divsi %arg0, %jit3A : i32
    %sign3A = arith.constant 0 : i32
    %sign3A_0 = arith.cmpi sgt, %arg0, %sign3A : i32
    %sign3A_1 = arith.extui %sign3A_0 : i1 to i32
    %sign3A_2 = arith.constant 0 : i32
    %sign3A_3 = arith.cmpi slt, %arg0, %sign3A_2 : i32
    %sign3A_4 = arith.extui %sign3A_3 : i1 to i32
    %sign3A_5 = arith.subi %sign3A_1, %sign3A_4 : i32
    %sign3A_6 = arith.constant 0 : i32
    %sign3A_7 = arith.cmpi sgt, %jit3A, %sign3A_6 : i32
    %sign3A_8 = arith.extui %sign3A_7 : i1 to i32
    %sign3A_9 = arith.constant 0 : i32
    %sign3A_10 = arith.cmpi slt, %jit3A, %sign3A_9 : i32
    %sign3A_11 = arith.extui %sign3A_10 : i1 to i32
    %sign3A_12 = arith.subi %sign3A_8, %sign3A_11 : i32
    %ne3A = arith.cmpi ne, %sign3A_5, %sign3A_12 : i32
    %rem3A = arith.remsi %arg0, %jit3A : i32
    %ne3A_13 = arith.constant 0 : i32
    %ne3A_14 = arith.cmpi ne, %rem3A, %ne3A_13 : i32
    %and3A = arith.andi %ne3A, %ne3A_14 : i1
    %sub3A = arith.constant 1 : i32
    %sub3A_15 = arith.subi %div3A, %sub3A : i32
    %select_n3A = arith.select %and3A, %sub3A_15, %div3A : i32
    %c0_i32 = arith.constant 0 : i32
    %c0_i32_16 = arith.constant 0 : i32
    %c0_i32_17 = arith.constant 0 : i32
    return %select_n3A, %c0_i32, %c0_i32_16 : i32, i32, i32
  }
  func.func @transform_8(%arg0: i32) -> (i32, i32, i32) {
    %jit3A = arith.constant 16 : i32
    %div3A = arith.divsi %arg0, %jit3A : i32
    %sign3A = arith.constant 0 : i32
    %sign3A_0 = arith.cmpi sgt, %arg0, %sign3A : i32
    %sign3A_1 = arith.extui %sign3A_0 : i1 to i32
    %sign3A_2 = arith.constant 0 : i32
    %sign3A_3 = arith.cmpi slt, %arg0, %sign3A_2 : i32
    %sign3A_4 = arith.extui %sign3A_3 : i1 to i32
    %sign3A_5 = arith.subi %sign3A_1, %sign3A_4 : i32
    %sign3A_6 = arith.constant 0 : i32
    %sign3A_7 = arith.cmpi sgt, %jit3A, %sign3A_6 : i32
    %sign3A_8 = arith.extui %sign3A_7 : i1 to i32
    %sign3A_9 = arith.constant 0 : i32
    %sign3A_10 = arith.cmpi slt, %jit3A, %sign3A_9 : i32
    %sign3A_11 = arith.extui %sign3A_10 : i1 to i32
    %sign3A_12 = arith.subi %sign3A_8, %sign3A_11 : i32
    %ne3A = arith.cmpi ne, %sign3A_5, %sign3A_12 : i32
    %rem3A = arith.remsi %arg0, %jit3A : i32
    %ne3A_13 = arith.constant 0 : i32
    %ne3A_14 = arith.cmpi ne, %rem3A, %ne3A_13 : i32
    %and3A = arith.andi %ne3A, %ne3A_14 : i1
    %sub3A = arith.constant 1 : i32
    %sub3A_15 = arith.subi %div3A, %sub3A : i32
    %select_n3A = arith.select %and3A, %sub3A_15, %div3A : i32
    %c0_i32 = arith.constant 0 : i32
    %c0_i32_16 = arith.constant 0 : i32
    %c0_i32_17 = arith.constant 0 : i32
    return %select_n3A, %c0_i32, %c0_i32_16 : i32, i32, i32
  }
  func.func @transform_9(%arg0: i32) -> (i32, i32, i32) {
    %jit3A = arith.constant 16 : i32
    %div3A = arith.divsi %arg0, %jit3A : i32
    %sign3A = arith.constant 0 : i32
    %sign3A_0 = arith.cmpi sgt, %arg0, %sign3A : i32
    %sign3A_1 = arith.extui %sign3A_0 : i1 to i32
    %sign3A_2 = arith.constant 0 : i32
    %sign3A_3 = arith.cmpi slt, %arg0, %sign3A_2 : i32
    %sign3A_4 = arith.extui %sign3A_3 : i1 to i32
    %sign3A_5 = arith.subi %sign3A_1, %sign3A_4 : i32
    %sign3A_6 = arith.constant 0 : i32
    %sign3A_7 = arith.cmpi sgt, %jit3A, %sign3A_6 : i32
    %sign3A_8 = arith.extui %sign3A_7 : i1 to i32
    %sign3A_9 = arith.constant 0 : i32
    %sign3A_10 = arith.cmpi slt, %jit3A, %sign3A_9 : i32
    %sign3A_11 = arith.extui %sign3A_10 : i1 to i32
    %sign3A_12 = arith.subi %sign3A_8, %sign3A_11 : i32
    %ne3A = arith.cmpi ne, %sign3A_5, %sign3A_12 : i32
    %rem3A = arith.remsi %arg0, %jit3A : i32
    %ne3A_13 = arith.constant 0 : i32
    %ne3A_14 = arith.cmpi ne, %rem3A, %ne3A_13 : i32
    %and3A = arith.andi %ne3A, %ne3A_14 : i1
    %sub3A = arith.constant 1 : i32
    %sub3A_15 = arith.subi %div3A, %sub3A : i32
    %select_n3A = arith.select %and3A, %sub3A_15, %div3A : i32
    %c0_i32 = arith.constant 0 : i32
    %c0_i32_16 = arith.constant 0 : i32
    %c0_i32_17 = arith.constant 0 : i32
    return %select_n3A, %c0_i32, %c0_i32_16 : i32, i32, i32
  }
  func.func @transform_10(%arg0: i32) -> (i32, i32, i32) {
    %c0_i32 = arith.constant 0 : i32
    %c0_i32_0 = arith.constant 0 : i32
    %c0_i32_1 = arith.constant 0 : i32
    return %arg0, %c0_i32, %c0_i32_0 : i32, i32, i32
  }
}

module attributes {stable_mosaic.version = 14 : i64} {
  func.func @_search_body(%arg0: i32, %arg1: memref<128x768xf32, #tpu.memory_space<vmem>>, %arg2: memref<768x1536xf32, #tpu.memory_space<vmem>>, %arg3: memref<1x768xf32, #tpu.memory_space<vmem>>, %arg4: memref<4000x768xf32, #tpu.memory_space<vmem>>, %arg5: memref<64x768xf32, #tpu.memory_space<vmem>>, %arg6: memref<1x64xf32, #tpu.memory_space<vmem>>, %arg7: memref<1x64xi32, #tpu.memory_space<vmem>>) attributes {dimension_semantics = [#tpu.dimension_semantics<arbitrary>], iteration_bounds = array<i64: 25>, scalar_prefetch = 0 : i64, scratch_operands = 0 : i64, tpu.core_type = #tpu.core_type<tc>, window_params = [{pipeline_mode = #tpu.pipeline_mode<synchronous>, transform_indices = @transform_0, window_bounds = array<i64: 128, 768>}, {pipeline_mode = #tpu.pipeline_mode<synchronous>, transform_indices = @transform_1, window_bounds = array<i64: 768, 1536>}, {pipeline_mode = #tpu.pipeline_mode<synchronous>, transform_indices = @transform_2, window_bounds = array<i64: 1, 768>}, {transform_indices = @transform_3, window_bounds = array<i64: 4000, 768>}, {pipeline_mode = #tpu.pipeline_mode<synchronous>, transform_indices = @transform_4, window_bounds = array<i64: 64, 768>}, {pipeline_mode = #tpu.pipeline_mode<synchronous>, transform_indices = @transform_5, window_bounds = array<i64: 1, 64>}, {pipeline_mode = #tpu.pipeline_mode<synchronous>, transform_indices = @transform_6, window_bounds = array<i64: 1, 64>}]} {
    %eq3A = arith.constant 0 : i32
    %eq3A_0 = arith.cmpi eq, %arg0, %eq3A : i32
    %convert_element_type3A = arith.extui %eq3A_0 : i1 to i32
    %cond3A = arith.constant 0 : i32
    %cond3A_1 = arith.cmpi ne, %convert_element_type3A, %cond3A : i32
    scf.if %cond3A_1 {
      %get3A_24 = arith.constant 0 : index
      %get3A_25 = arith.constant 0 : index
      %get3A_26 = vector.load %arg2[%get3A_24, %get3A_25] : memref<768x1536xf32, #tpu.memory_space<vmem>>, vector<768x1536xf32>
      %get3A_27 = arith.constant 0 : index
      %get3A_28 = arith.constant 0 : index
      %get3A_29 = vector.load %arg1[%get3A_27, %get3A_28] : memref<128x768xf32, #tpu.memory_space<vmem>>, vector<64x768xf32>
      %slice3A = vector.extract_strided_slice %get3A_26 {offsets = [0, 0], sizes = [768, 768], strides = [1, 1]} : vector<768x1536xf32> to vector<768x768xf32>
      %dot_general3A_30 = arith.constant dense<0.000000e+00> : vector<64x768xf32>
      %dot_general3A_31 = tpu.matmul %get3A_29, %slice3A, %dot_general3A_30 {dimension_numbers = #tpu.dot_dimension_numbers<[1], [1], [0], [0], [0, 0, 1, 0], [], []>, transpose_lhs_hint = false} : vector<64x768xf32>, vector<768x768xf32>, vector<64x768xf32> -> vector<64x768xf32>
      %get3A_32 = arith.constant 64 : index
      %get3A_33 = arith.constant 0 : index
      %get3A_34 = vector.load %arg1[%get3A_32, %get3A_33] : memref<128x768xf32, #tpu.memory_space<vmem>>, vector<64x768xf32>
      %slice3A_35 = vector.extract_strided_slice %get3A_26 {offsets = [0, 768], sizes = [768, 768], strides = [1, 1]} : vector<768x1536xf32> to vector<768x768xf32>
      %dot_general3A_36 = arith.constant dense<0.000000e+00> : vector<64x768xf32>
      %dot_general3A_37 = tpu.matmul %get3A_34, %slice3A_35, %dot_general3A_36 {dimension_numbers = #tpu.dot_dimension_numbers<[1], [1], [0], [0], [0, 0, 1, 0], [], []>, transpose_lhs_hint = false} : vector<64x768xf32>, vector<768x768xf32>, vector<64x768xf32> -> vector<64x768xf32>
      %add3A_38 = arith.addf %dot_general3A_31, %dot_general3A_37 : vector<64x768xf32>
      %get3A_39 = arith.constant 0 : index
      %get3A_40 = arith.constant 0 : index
      %get3A_41 = vector.load %arg3[%get3A_39, %get3A_40] : memref<1x768xf32, #tpu.memory_space<vmem>>, vector<1x768xf32>
      %get3A_42 = vector.shape_cast %get3A_41 : vector<1x768xf32> to vector<768xf32>
      %broadcast_in_dim3A_43 = vector.shape_cast %get3A_42 : vector<768xf32> to vector<1x768xf32>
      %add3A_44 = vector.broadcast %broadcast_in_dim3A_43 : vector<1x768xf32> to vector<64x768xf32>
      %add3A_45 = arith.addf %add3A_38, %add3A_44 : vector<64x768xf32>
      %mul3A_46 = arith.mulf %add3A_45, %add3A_45 : vector<64x768xf32>
      %reduce_sum3A = arith.constant dense<0.000000e+00> : vector<64xf32>
      %reduce_sum3A_47 = vector.multi_reduction <add>, %mul3A_46, %reduce_sum3A [1] : vector<64x768xf32> to vector<64xf32>
      %broadcast_in_dim3A_48 = vector.shape_cast %reduce_sum3A_47 : vector<64xf32> to vector<64x1xf32>
      %sqrt3A = math.sqrt %broadcast_in_dim3A_48 : vector<64x1xf32>
      %max3A = arith.constant 9.99999996E-13 : f32
      %max3A_49 = vector.broadcast %max3A : f32 to vector<64x1xf32>
      %max3A_50 = arith.maximumf %sqrt3A, %max3A_49 : vector<64x1xf32>
      %div3A = vector.broadcast %max3A_50 : vector<64x1xf32> to vector<64x768xf32>
      %div3A_51 = arith.divf %add3A_45, %div3A : vector<64x768xf32>
      %swap3A = arith.constant 0 : index
      %swap3A_52 = arith.constant 0 : index
      %swap3A_53 = vector.load %arg5[%swap3A, %swap3A_52] : memref<64x768xf32, #tpu.memory_space<vmem>>, vector<64x768xf32>
      tpu.vector_store %arg5[%swap3A, %swap3A_52], %div3A_51 {strides = array<i32>} : memref<64x768xf32, #tpu.memory_space<vmem>>, vector<64x768xf32>,
    } else {
    }
    %get3A = arith.constant 0 : index
    %get3A_2 = arith.constant 0 : index
    %get3A_3 = vector.load %arg5[%get3A, %get3A_2] : memref<64x768xf32, #tpu.memory_space<vmem>>, vector<64x768xf32>
    %get3A_4 = arith.constant 0 : index
    %get3A_5 = arith.constant 0 : index
    %get3A_6 = vector.load %arg4[%get3A_4, %get3A_5] : memref<4000x768xf32, #tpu.memory_space<vmem>>, vector<4000x768xf32>
    %dot_general3A = arith.constant dense<0.000000e+00> : vector<64x4000xf32>
    %dot_general3A_7 = tpu.matmul %get3A_3, %get3A_6, %dot_general3A {dimension_numbers = #tpu.dot_dimension_numbers<[1], [1], [0], [0], [0, 0, 1, 0], [], []>, transpose_lhs_hint = false} : vector<64x768xf32>, vector<4000x768xf32>, vector<64x4000xf32> -> vector<64x4000xf32>
    %reduce_max3A = arith.constant dense<0xFF800000> : vector<64xf32>
    %reduce_max3A_8 = vector.multi_reduction <maximumf>, %dot_general3A_7, %reduce_max3A [1] : vector<64x4000xf32> to vector<64xf32>
    %iota3A = tpu.iota {dimensions = array<i32: 1>} : vector<64x4000xi32>
    %broadcast_in_dim3A = vector.shape_cast %reduce_max3A_8 : vector<64xf32> to vector<64x1xf32>
    %eq3A_9 = vector.broadcast %broadcast_in_dim3A : vector<64x1xf32> to vector<64x4000xf32>
    %eq3A_10 = arith.cmpf oeq, %dot_general3A_7, %eq3A_9 : vector<64x4000xf32>
    %jit3A = arith.constant 100000 : i32
    %broadcast_in_dim3A_11 = vector.broadcast %jit3A : i32 to vector<64x4000xi32>
    %select_n3A = arith.select %eq3A_10, %iota3A, %broadcast_in_dim3A_11 : vector<64x4000xi1>, vector<64x4000xi32>
    %reduce_min3A = arith.constant dense<2147483647> : vector<64xi32>
    %reduce_min3A_12 = vector.multi_reduction <minsi>, %select_n3A, %reduce_min3A [1] : vector<64x4000xi32> to vector<64xi32>
    %mul3A = arith.constant 4000 : i32
    %mul3A_13 = arith.muli %arg0, %mul3A : i32
    %add3A = vector.broadcast %mul3A_13 : i32 to vector<64xi32>
    %add3A_14 = arith.addi %reduce_min3A_12, %add3A : vector<64xi32>
    %eq3A_15 = arith.constant 0 : i32
    %eq3A_16 = arith.cmpi eq, %arg0, %eq3A_15 : i32
    %convert_element_type3A_17 = arith.extui %eq3A_16 : i1 to i32
    %cond3A_18 = arith.constant 0 : i32
    %cond3A_19 = arith.cmpi ne, %convert_element_type3A_17, %cond3A_18 : i32
    scf.if %cond3A_19 {
      %swap3A = arith.constant 0 : index
      %swap3A_24 = arith.constant 0 : index
      %swap3A_25 = vector.load %arg6[%swap3A, %swap3A_24] : memref<1x64xf32, #tpu.memory_space<vmem>>, vector<1x64xf32>
      %swap3A_26 = vector.shape_cast %swap3A_25 : vector<1x64xf32> to vector<64xf32>
      %swap3A_27 = vector.shape_cast %reduce_max3A_8 : vector<64xf32> to vector<1x64xf32>
      tpu.vector_store %arg6[%swap3A, %swap3A_24], %swap3A_27 {strides = array<i32>} : memref<1x64xf32, #tpu.memory_space<vmem>>, vector<1x64xf32>,
      %swap3A_28 = arith.constant 0 : index
      %swap3A_29 = arith.constant 0 : index
      %swap3A_30 = vector.load %arg7[%swap3A_28, %swap3A_29] : memref<1x64xi32, #tpu.memory_space<vmem>>, vector<1x64xi32>
      %swap3A_31 = vector.shape_cast %swap3A_30 : vector<1x64xi32> to vector<64xi32>
      %swap3A_32 = vector.shape_cast %add3A_14 : vector<64xi32> to vector<1x64xi32>
      tpu.vector_store %arg7[%swap3A_28, %swap3A_29], %swap3A_32 {strides = array<i32>} : memref<1x64xi32, #tpu.memory_space<vmem>>, vector<1x64xi32>,
    } else {
    }
    %gt3A = arith.constant 0 : i32
    %gt3A_20 = arith.cmpi sgt, %arg0, %gt3A : i32
    %convert_element_type3A_21 = arith.extui %gt3A_20 : i1 to i32
    %cond3A_22 = arith.constant 0 : i32
    %cond3A_23 = arith.cmpi ne, %convert_element_type3A_21, %cond3A_22 : i32
    scf.if %cond3A_23 {
      %get3A_24 = arith.constant 0 : index
      %get3A_25 = arith.constant 0 : index
      %get3A_26 = vector.load %arg6[%get3A_24, %get3A_25] : memref<1x64xf32, #tpu.memory_space<vmem>>, vector<1x64xf32>
      %get3A_27 = vector.shape_cast %get3A_26 : vector<1x64xf32> to vector<64xf32>
      %gt3A_28 = arith.cmpf ogt, %reduce_max3A_8, %get3A_27 : vector<64xf32>
      %select_n3A_29 = arith.select %gt3A_28, %reduce_max3A_8, %get3A_27 : vector<64xi1>, vector<64xf32>
      %swap3A = arith.constant 0 : index
      %swap3A_30 = arith.constant 0 : index
      %swap3A_31 = vector.load %arg6[%swap3A, %swap3A_30] : memref<1x64xf32, #tpu.memory_space<vmem>>, vector<1x64xf32>
      %swap3A_32 = vector.shape_cast %swap3A_31 : vector<1x64xf32> to vector<64xf32>
      %swap3A_33 = vector.shape_cast %select_n3A_29 : vector<64xf32> to vector<1x64xf32>
      tpu.vector_store %arg6[%swap3A, %swap3A_30], %swap3A_33 {strides = array<i32>} : memref<1x64xf32, #tpu.memory_space<vmem>>, vector<1x64xf32>,
      %get3A_34 = arith.constant 0 : index
      %get3A_35 = arith.constant 0 : index
      %get3A_36 = vector.load %arg7[%get3A_34, %get3A_35] : memref<1x64xi32, #tpu.memory_space<vmem>>, vector<1x64xi32>
      %get3A_37 = vector.shape_cast %get3A_36 : vector<1x64xi32> to vector<64xi32>
      %select_n3A_38 = arith.select %gt3A_28, %add3A_14, %get3A_37 : vector<64xi1>, vector<64xi32>
      %swap3A_39 = arith.constant 0 : index
      %swap3A_40 = arith.constant 0 : index
      %swap3A_41 = vector.load %arg7[%swap3A_39, %swap3A_40] : memref<1x64xi32, #tpu.memory_space<vmem>>, vector<1x64xi32>
      %swap3A_42 = vector.shape_cast %swap3A_41 : vector<1x64xi32> to vector<64xi32>
      %swap3A_43 = vector.shape_cast %select_n3A_38 : vector<64xi32> to vector<1x64xi32>
      tpu.vector_store %arg7[%swap3A_39, %swap3A_40], %swap3A_43 {strides = array<i32>} : memref<1x64xi32, #tpu.memory_space<vmem>>, vector<1x64xi32>,
    } else {
    }
    return
  }
  func.func @transform_0(%arg0: i32) -> (i32, i32) {
    %c0_i32 = arith.constant 0 : i32
    %c0_i32_0 = arith.constant 0 : i32
    %c0_i32_1 = arith.constant 0 : i32
    return %c0_i32, %c0_i32_0 : i32, i32
  }
  func.func @transform_1(%arg0: i32) -> (i32, i32) {
    %c0_i32 = arith.constant 0 : i32
    %c0_i32_0 = arith.constant 0 : i32
    %c0_i32_1 = arith.constant 0 : i32
    return %c0_i32, %c0_i32_0 : i32, i32
  }
  func.func @transform_2(%arg0: i32) -> (i32, i32) {
    %c0_i32 = arith.constant 0 : i32
    %c0_i32_0 = arith.constant 0 : i32
    %c0_i32_1 = arith.constant 0 : i32
    return %c0_i32, %c0_i32_0 : i32, i32
  }
  func.func @transform_3(%arg0: i32) -> (i32, i32) {
    %c0_i32 = arith.constant 0 : i32
    %c0_i32_0 = arith.constant 0 : i32
    return %arg0, %c0_i32 : i32, i32
  }
  func.func @transform_4(%arg0: i32) -> (i32, i32) {
    %c0_i32 = arith.constant 0 : i32
    %c0_i32_0 = arith.constant 0 : i32
    %c0_i32_1 = arith.constant 0 : i32
    return %c0_i32, %c0_i32_0 : i32, i32
  }
  func.func @transform_5(%arg0: i32) -> (i32, i32) {
    %c0_i32 = arith.constant 0 : i32
    %c0_i32_0 = arith.constant 0 : i32
    %c0_i32_1 = arith.constant 0 : i32
    return %c0_i32, %c0_i32_0 : i32, i32
  }
  func.func @transform_6(%arg0: i32) -> (i32, i32) {
    %c0_i32 = arith.constant 0 : i32
    %c0_i32_0 = arith.constant 0 : i32
    %c0_i32_1 = arith.constant 0 : i32
    return %c0_i32, %c0_i32_0 : i32, i32
  }
}

</mosaic_0001>

<sc_bundles>
// kernel: kernel.5.cloned.1.call-start
scs
__scs_entry_jumppad:
0x0: {  	(pc) =	sbr.rel $0x88, $3  }
0x1: {  	(tag) =	ssettag $0x0;
	lr =	simm.s32 $0x1  }
0x2: {  	[smem:$0x3F8C] =	sst lr;
	_ =	strace $0xD0000000  }
0x3: {  	_ = 	snop  }
0x4: {  	_ = 	snop  }
0x5: {  	_ = 	snop  }
0x6: {  	_ = 	snop  }
0x7: {  	_ = 	snop  }
__scs_overlays_trampoline_lowered:
0x8: {  	[smem:$0x3F9B] =	sst s0  }
0x9: {  	[smem:$0x3F9C] =	sst s1  }
0xa: {  	[smem:$0x3F9D] =	sst s2  }
0xb: {  	[smem:$0x3F9E] =	sst s3  }
0xc: {  	[smem:$0x3F9F] =	sst s4  }
0xd: {  	[smem:$0x3FA0] =	sst s5  }
0xe: {  	[smem:$0x3FA1] =	sst s6  }
0xf: {  	[smem:$0x3FA2] =	sst s7  }
0x10: {  	[smem:$0x3FA3] =	sst s8  }
0x11: {  	[smem:$0x3FA4] =	sst s9;
	s0 =	simm.s32 @!p0 $0x0  }
0x12: {  	s1 =	sld [smem:$0x3F8A];
	s0 =	simm.s32 @p0 $0x1  }
0x13: {  	[smem:$0x3FA5] =	sst s0;
	s0 =	simm.s32 @!p1 $0x0  }
0x14: {  	s2 =	sld [smem:$0x3F89];
	s0 =	simm.s32 @p1 $0x1  }
0x15: {  	[smem:$0x3FA6] =	sst s0;
	s0 =	simm.s32 @!p2 $0x0  }
0x16: {  	s3 =	sld [smem:$0x3FDB];
	s0 =	simm.s32 @p2 $0x1  }
0x17: {  	s4 =	simm.s32 $0x1BF5;
	[smem:$0x3FA8] =	sst s0  }
0x18: {  	s0 =	sld [smem:$0x3F8B];
	_ =	swait.ge [sflag:s4], $0x0  }
0x19: {  	s7 =	sld [smem:$0x3F8C]  }
0x1a: {  	s8 =	sadd.s32 $0xFFFFE003, lr  }
0x1b: {  	s9 =	sadd.s32 $0xFFFFFEF7, lr;
	s5 =	simm.s32 $0xFFFFFFFF;
	p2 =	slt.u32 s8, $0xFFFFF086  }
0x1c: {  	p1 =	slt.u32 s9, $0xF7A;
	s5 =	simm.s32 @!p2 $0x0  }
0x1d: {  	s5 =	simm.s32 @p1 $0x1;
	p0 =	seq.s32 s7, s2  }
0x1e: {  	s7 =	smul.u32 @!p0 $0xF7A, s2;
	p2 =	seq.s32 @!p0 s5, $0x0  }
0x1f: {  	s9 =	smul.u32 $0xF7A, s1;
	s8 =	simm.s32 @!p0 $0x1BF5;
	p2 =	por !p2, p0  }
0x20: {  	[sflag:s8] =	ssyncset.s32 @!p0 $0xFFFFF086;
	s6 =	sadd.s32 @!p0 s3, s7;
	s7 =	simm.s32 @!p0 $0x108  }
0x21: {  	s3 =	sadd.s32 s3, s9;
	s6 =	sadd.s32 @!p0 $0x88, s6;
	s7 =	simm.s32 @p2 $0x1082  }
0x22: {  	[simem:s7], [sflag:s8] =	dma.local @!p0 [hbm:s6], $0xF7A  }
0x23: {  	s9 =	sor.u32 $0xD0000000, s2;
	s6 =	simm.s32 $0x108;
	_ =	swait.ge @!p0 [sflag:s8], $0x0  }
0x24: {  	s3 =	sadd.s32 $0x88, s3;
	s6 =	simm.s32 @!p1 $0x1082;
	[sflag:s4] =	ssyncset.s32 $0xFFFFF086  }
0x25: {  	[simem:s6], [sflag:s4] =	dma.local [hbm:s3], $0xF7A  }
0x26: {  	[smem:$0x3F8C] =	sst s1;
	(tag) =	ssettag s2;
	_ =	strace s9  }
0x27: {  	s1 =	sld [smem:$0x3F9C]  }
0x28: {  	s2 =	sld [smem:$0x3F9D]  }
0x29: {  	s4 =	sld [smem:$0x3F9F]  }
0x2a: {  	p0 =	seq.s32 s5, $0x0;
	s5 =	sld [smem:$0x3FA0]  }
0x2b: {  	s6 =	sld [smem:$0x3FA1]  }
0x2c: {  	s7 =	sld [smem:$0x3FA2]  }
0x2d: {  	s3 =	simm.s32 $0x108;
	s8 =	sld [smem:$0x3FA3]  }
0x2e: {  	s3 =	simm.s32 @!p0 $0x1082;
	s9 =	sld [smem:$0x3FA4]  }
0x2f: {  	lr =	sadd.s32 s0, s3;
	s0 =	sld [smem:$0x3F9B]  }
0x30: {  	s3 =	sld [smem:$0x3F9E]  }
0x31: {  	[smem:$0x3FA7] =	sst s10  }
0x32: {  	s10 =	sld [smem:$0x3FA5];
	_ =	sdelay $0x3  }
0x33: {  	p0 =	seq.s32 s10, $0x1;
	s10 =	sld [smem:$0x3FA7];
	_ =	sdelay $0x3  }
0x34: {  	[smem:$0x3FA7] =	sst s10  }
0x35: {  	s10 =	sld [smem:$0x3FA6];
	_ =	sdelay $0x3  }
0x36: {  	p1 =	seq.s32 s10, $0x1;
	s10 =	sld [smem:$0x3FA7];
	_ =	sdelay $0x3  }
0x37: {  	[smem:$0x3FA7] =	sst s10  }
0x38: {  	s10 =	sld [smem:$0x3FA8]  }
0x39: {  	_ = 	snop;
	(pc) =	sbr.ind lr, $3  }
0x3a: {  	_ = 	snop  }
0x3b: {  	_ = 	snop  }
0x3c: {  	p2 =	seq.s32 s10, $0x1;
	s10 =	sld [smem:$0x3FA7]  }
0x3d: {  	_ =	shalt  }
0x3e: {  	_ =	shalt  }
0x3f: {  	_ =	shalt  }
0x40: {  	_ =	shalt  }
0x41: {  	_ =	shalt  }
0x42: {  	_ =	shalt  }
0x43: {  	_ =	shalt  }
0x44: {  	_ =	shalt  }
0x45: {  	_ =	shalt  }
0x46: {  	_ =	shalt  }
0x47: {  	_ =	shalt  }
0x48: {  	_ =	shalt  }
0x49: {  	_ =	shalt  }
0x4a: {  	_ =	shalt  }
0x4b: {  	_ =	shalt  }
0x4c: {  	_ =	shalt  }
0x4d: {  	_ =	shalt  }
0x4e: {  	_ =	shalt  }
0x4f: {  	_ =	shalt  }
0x50: {  	_ =	shalt  }
0x51: {  	_ =	shalt  }
0x52: {  	_ =	shalt  }
0x53: {  	_ =	shalt  }
0x54: {  	_ =	shalt  }
0x55: {  	_ =	shalt  }
0x56: {  	_ =	shalt  }
0x57: {  	_ =	shalt  }
0x58: {  	_ =	shalt  }
0x59: {  	_ =	shalt  }
0x5a: {  	_ =	shalt  }
0x5b: {  	_ =	shalt  }
0x5c: {  	_ =	shalt  }
0x5d: {  	_ =	shalt  }
0x5e: {  	_ =	shalt  }
0x5f: {  	_ =	shalt  }
0x60: {  	_ =	shalt  }
0x61: {  	_ =	shalt  }
0x62: {  	_ =	shalt  }
0x63: {  	_ =	shalt  }
0x64: {  	_ =	shalt  }
0x65: {  	_ =	shalt  }
0x66: {  	_ =	shalt  }
0x67: {  	_ =	shalt  }
0x68: {  	_ =	shalt  }
0x69: {  	_ =	shalt  }
0x6a: {  	_ =	shalt  }
0x6b: {  	_ =	shalt  }
0x6c: {  	_ =	shalt  }
0x6d: {  	_ =	shalt  }
0x6e: {  	_ =	shalt  }
0x6f: {  	_ =	shalt  }
0x70: {  	_ =	shalt  }
0x71: {  	_ =	shalt  }
0x72: {  	_ =	shalt  }
0x73: {  	_ =	shalt  }
0x74: {  	_ =	shalt  }
0x75: {  	_ =	shalt  }
0x76: {  	_ =	shalt  }
0x77: {  	_ =	shalt  }
0x78: {  	_ =	shalt  }
0x79: {  	_ =	shalt  }
0x7a: {  	_ =	shalt  }
0x7b: {  	_ =	shalt  }
0x7c: {  	_ =	shalt  }
0x7d: {  	_ =	shalt  }
0x7e: {  	_ =	shalt  }
0x7f: {  	_ =	shalt  }
0x80: {  	_ =	shalt  }
0x81: {  	_ =	shalt  }
0x82: {  	_ =	shalt  }
0x83: {  	_ =	shalt  }
0x84: {  	_ =	shalt  }
0x85: {  	_ =	shalt  }
0x86: {  	_ =	shalt  }
0x87: {  	_ =	shalt  }
.Lfunc_end0:
.L_simem_size_0:
called_computation_lowered:
.L_overlay_start_0:
0x88: {  	s2 =	sld [smem:$0x3FD9]  }
0x89: {  	s3 =	sld [smem:$0x3FFE];
	_ =	sdelay $0x1  }
0x8a: {  	s1 =	srdreg.scid  }
0x8b: {  	s0 =	sand.u32 $0x1, s1  }
0x8c: {  	s14 =	sshll.u32 s0, $0xA;
	s2 =	sadd.s32 s3, s2  }
0x8d: {  	s2 =	sadd.s32 s2, s14  }
0x8e: {  	[smem:$0x3FB3] =	sst s2  }
0x8f: {  	_ = 	snop  }
0x90: {  	s2 =	sld [smem:$0x3FD0];
	_ =	sdelay $0x2  }
0x91: {  	s4 =	simm.s32 $0xA;
	s5 =	simm.s32 $0x10;
	s15 =	sld [smem:$0x3FB5]  }
0x92: {  	[smem:s5], [sflag:s4] =	dma.local [hbm:s2], $0x1  }
0x93: {  	_ =	swait.eq [sflag:s4], $0x1  }
0x94: {  	[sflag:s4] =	ssyncset.done $0x0  }
0x95: {  	[sflag:s4] =	ssyncadd.s32 $0xFFFFFFFF  }
0x96: {  	s16 =	sld [smem:$0x11];
	(tm) =	ssettm $0x1  }
0x97: {  	s17 =	sld [smem:$0x3FFB];
	_ =	sdelay $0x3  }
0x98: {  	_ =	strace s17  }
0x99: {  	s4 =	sld [smem:$0x3FFC];
	_ =	sdelay $0x3  }
0x9a: {  	_ =	strace s4  }
0x9b: {  	s4 =	sld [smem:$0x3FFD];
	_ =	sdelay $0x3  }
0x9c: {  	_ =	strace s4  }
0x9d: {  	_ =	strace $0x8FFFFFFF  }
0x9e: {  	s18 =	sld [smem:$0x3FDB];
	_ =	sdelay $0x1  }
0x9f: {  	s19 =	simm.s32 $_scs_section_size  }
0xa0: {  	s6 =	simm.s32 $_size__tile_overlayer_lowered;
	s7 =	simm.s32 $_tile_overlayer_lowered  }
0xa1: {  	s22 =	simm.s32 $0x1BFF;
	s21 =	sshll.u32 s7, $0x1;
	s4 =	sadd.s32 s19, s18  }
0xa2: {  	s8 =	simm.s32 $0x0;
	s20 =	sshll.u32 s6, $0x1;
	s6 =	sadd.s32 s21, s4  }
0xa3: {  	[timem:s8], [sflag:s22] =	dma.local [hbm:s6], s20  }
0xa4: {  	_ =	swait.ge [sflag:s22], s20  }
0xa5: {  	s5 =	ssub.s32 $0x0, s20;
	[sflag:s22] =	ssyncset.done $0x0  }
0xa6: {  	[sflag:s22] =	ssyncadd.s32 s5;
	_ =	sdelay $0x1  }
0xa7: {  	s23 =	simm.s32 $0x1B8B  }
0xa8: {  	_ =	swait.ge [sflag:s23], $0x1  }
0xa9: {  	[sflag:s23] =	ssyncset.done $0x0  }
0xaa: {  	s25 =	simm.s32 $0x1B8E;
	s24 =	sld [smem:$0x3FFE];
	[sflag:s23] =	ssyncadd.s32 $0xFFFFFFFF  }
0xab: {  	s26 =	simm.s32 $execute0_lowered;
	[smem:$0x3FD2] =	sst s25  }
0xac: {  	s6 =	sshll.u32 s26, $0x1;
	_ =	strace $0x80000046;
	[dreg:$0x1] =	wrdreg $0xFFFFFFFF  }
0xad: {  	s28 =	simm.s32 $_size_execute0_lowered;
	s4 =	sadd.s32 s4, s6;
	[dreg:$0x0] =	wrdreg $0x0  }
0xae: {  	s6 =	sshll.u32 s28, $0x1;
	[dreg:$0x2] =	wrdreg s4  }
0xaf: {  	[dreg:$0x3] =	wrdreg s6  }
0xb0: {  	[dreg:$0x4] =	wrdreg $0xC0  }
0xb1: {  	_ =	task [dreg:s8], $0x5FFFF  }
0xb2: {  	[dreg:$0x1] =	wrdreg $0xFFFFFFFF  }
0xb3: {  	[dreg:$0x0] =	wrdreg $0x60  }
0xb4: {  	[dreg:$0x2] =	wrdreg s15  }
0xb5: {  	[dreg:$0x3] =	wrdreg s24  }
0xb6: {  	[dreg:$0x4] =	wrdreg s16  }
0xb7: {  	[dreg:$0x5] =	wrdreg $0x9  }
0xb8: {  	_ =	task.clear_ibuf [dreg:s8], $0x6FFFF;
	_ =	strace $0x90000046  }
0xb9: {  	s29 =	simm.s32 $0x9;
	_ =	strace $0x80000048  }
0xba: {  	_ =	swait.ge [sflag:s29], $0x1  }
0xbb: {  	[sflag:s29] =	ssyncadd.s32 $0xFFFFFFFF  }
0xbc: {  	_ =	strace $0x90000048  }
0xbd: {  	_ =	sfence  }
0xbe: {  	s30 =	sld [smem:$0x0];
	_ =	sdelay $0x2  }
0xbf: {  	s31 =	sshll.u32 s1, $0xD;
	s1 =	sshrl.u32 s1, $0x2  }
0xc0: {  	s3 =	sand.u32 $0x4000, s31;
	s1 =	sadd.s32 s1, s30  }
0xc1: {  	s0 =	sor.u32 s3, s0;
	s1 =	sshll.u32 s1, $0x11  }
0xc2: {  	s0 =	sor.u32 s1, s0  }
0xc3: {  	s0 =	sadd.s32 $0x8F2B, s0  }
0xc4: {  	[sflag:s0] =	ssyncadd.remote.s32 $0x1  }
0xc5: {  	_ =	sfence.sel $0xFFFF  }
0xc6: {  	[dreg:$0x0] =	wrdreg $0xFFFFFFFF;
	(pc) =	sbr.abs _section_cstart, $3  }
0xc7: {  	[dreg:$0x1] =	wrdreg $0xFFFFFFFF  }
0xc8: {  	_ =	task.clear_ibuf [dreg:s8], $0x2FFFF;
	_ =	strace $0x9FFFFFFF  }
0xc9: {  	(tm) =	ssettm $0x7FFFFFFF  }
tec
execute0_lowered:
.L_overlay_start_1:
0x0: {  	(tag) =	ssettag $0x1  }
0x1: {  	s1 =	stileid.u32  }
0x2: {  	p0 =	sgt.u32 s1, $0x3  }
.Ltmp0:
0x3: {  	s2 =	rddreg [dreg:$0x0];
	(pc) =	sbr.rel @p0 .LBB2_4-.Ltmp0, $4  }
0x4: {  	s4 =	rddreg [dreg:$0x1]  }
0x5: {  	s12 =	rddreg [dreg:$0x2];
	s3 =	simm.s32 $0x0  }
0x6: {  	[smem:$0x7FF] =	sst s3  }
0x7: {  	s0 =	rddreg [dreg:$0x3];
	_ =	strace $0x80000047  }
0x8: {  	s5 =	srdreg.scid  }
0x9: {  	s30 =	sshll.u32 s1, $0x1;
	s10 =	sand.u32 $0x1, s5  }
0xa: {  	s4 =	sadd.s32 $0x5A00, s4;
	s13 =	sor.u32 s10, s30  }
0xb: {  	s5 =	sadd.s32 s4, s13;
	s4 =	simm.s32 $0x2  }
0xc: {  	[tilespmem:s3], [sflag:$0x2] =	stream.linear.gather [hbm4b:s5+s3], $0x8, $0x38;
	[tilespmem:$0x1880] =	vst v63  }
0xd: {  	_ =	swait.ge [sflag:s4], $0x8  }
0xe: {  	[sflag:s4] =	ssyncset.done $0x0  }
0xf: {  	[sflag:s4] =	ssyncadd.s32 $0xFFFFFFF8  }
0x10: {  	v0 =	vld.msk [tilespmem:$0x0], $0xff;
	_ =	sdelay $0x4  }
0x11: {  	v1 =	vshrl.u32 v0, $0x3  }
0x12: {  	v1 =	vmul.u32 $0x30, v1  }
0x13: {  	v2 =	vlaneseq.u32;
	v3 =	vand.u32 $0x7, v0  }
0x14: {  	v0 =	vand.u32 $0x7, v2;
	v2 =	vshrl.u32 v2, $0x3;
	v3 =	vor.u32 v3, v1  }
0x15: {  	v1 =	vmul.u32 $0x8, v2;
	v2 =	vperm.xlane v3, v0;
	_ =	sdelay $0x1  }
0x16: {  	v2 =	vadd.s32 v1, v2;
	_ =	sdelay $0x2  }
0x17: {  	s14 =	ssub.s32 $0x2, s10  }
0x18: {  	vm0 =	vmmov $0xffff;
	s6 =	simm.s32 $0x80;
	s7 =	sadd.s32 $0x100, s2;
	s15 =	sshrl.u32 s14, $0x1  }
0x19: {  	[tilespmem:s6], [sflag:$0x1] =	stream.indirect_vreg.gather [hbm4b:s2+s3], $0x80, v2, vm0, $0xb8;
	[tilespmem:$0x1880] =	vst v63  }
0x1a: {  	s8 =	sadd.s32 $0x200, s2;
	s9 =	simm.s32 $0x880;
	s14 =	ssub.s32 s14, s15  }
0x1b: {  	[tilespmem:s9], [sflag:$0x1] =	stream.indirect_vreg.gather [hbm4b:s7+s3], $0x80, v2, vm0, $0xb8;
	[tilespmem:$0x1880] =	vst v63  }
0x1c: {  	s11 =	simm.s32 $0x1;
	s10 =	simm.s32 $0x1080;
	s31 =	smax.u32 s14, $0x1  }
0x1d: {  	[tilespmem:s10], [sflag:$0x1] =	stream.indirect_vreg.gather [hbm4b:s8+s3], $0x80, v2, vm0, $0xb8;
	[tilespmem:$0x1880] =	vst v63  }
0x1e: {  	s13 =	smul.u32 $0x300, s13;
	p0 =	sne.s32 s31, $0x1;
	_ =	swait.ge [sflag:s11], $0x1800  }
.Ltmp1:
0x1f: {  	[sflag:s11] =	ssyncset.done $0x0;
	(pc) =	sbr.rel @!p0 .LBB2_3-.Ltmp1, $4  }
0x20: {  	s12 =	sadd.s32 s12, s13;
	[sflag:s11] =	ssyncadd.s32 $0xFFFFE800  }
0x21: {  	[hbm4b:s12+s3] =	stream.linear.scatter [tilespmem:s6], [sflag:$0x2], $0x1800, $0x38;
	[tilespmem:$0x1880] =	vst v63  }
0x22: {  	_ =	swait.ge [sflag:s4], $0x1800  }
0x23: {  	s13 =	sadd.s32 $0xFFFFFFFF, s31;
	[sflag:s4] =	ssyncset.done $0x0  }
.LBB2_2:
0x24: {  	p0 =	sne.s32 s13, $0x1;
	s13 =	sadd.s32 $0xFFFFFFFF, s13;
	[sflag:s4] =	ssyncadd.s32 $0xFFFFE800  }
0x25: {  	[tilespmem:s3], [sflag:$0x2] =	stream.linear.gather [hbm4b:s5+s3], $0x8, $0x38;
	[tilespmem:$0x1880] =	vst v63  }
0x26: {  	_ =	swait.ge [sflag:s4], $0x8  }
0x27: {  	[sflag:s4] =	ssyncset.done $0x0  }
0x28: {  	[sflag:s4] =	ssyncadd.s32 $0xFFFFFFF8  }
0x29: {  	v2 =	vld.msk [tilespmem:$0x0], $0xff;
	_ =	sdelay $0x4  }
0x2a: {  	v3 =	vshrl.u32 v2, $0x3  }
0x2b: {  	v3 =	vmul.u32 $0x30, v3  }
0x2c: {  	v2 =	vand.u32 $0x7, v2  }
0x2d: {  	v2 =	vor.u32 v2, v3  }
0x2e: {  	v2 =	vperm.xlane v2, v0;
	_ =	sdelay $0x1  }
0x2f: {  	v2 =	vadd.s32 v1, v2;
	_ =	sdelay $0x4  }
0x30: {  	[tilespmem:s6], [sflag:$0x1] =	stream.indirect_vreg.gather [hbm4b:s2+s3], $0x80, v2, vm0, $0xb8;
	[tilespmem:$0x1880] =	vst v63  }
0x31: {  	_ = 	snop  }
0x32: {  	[tilespmem:s9], [sflag:$0x1] =	stream.indirect_vreg.gather [hbm4b:s7+s3], $0x80, v2, vm0, $0xb8;
	[tilespmem:$0x1880] =	vst v63  }
0x33: {  	_ = 	snop  }
0x34: {  	[tilespmem:s10], [sflag:$0x1] =	stream.indirect_vreg.gather [hbm4b:s8+s3], $0x80, v2, vm0, $0xb8;
	[tilespmem:$0x1880] =	vst v63  }
0x35: {  	_ =	swait.ge [sflag:s11], $0x1800  }
.Ltmp2:
0x36: {  	[sflag:s11] =	ssyncset.done $0x0;
	(pc) =	sbr.rel @p0 .LBB2_2-.Ltmp2, $4  }
0x37: {  	[sflag:s11] =	ssyncadd.s32 $0xFFFFE800  }
0x38: {  	[hbm4b:s12+s3] =	stream.linear.scatter [tilespmem:s6], [sflag:$0x2], $0x1800, $0x38;
	[tilespmem:$0x1880] =	vst v63  }
0x39: {  	_ =	swait.ge [sflag:s4], $0x1800  }
0x3a: {  	[sflag:s4] =	ssyncset.done $0x0  }
.LBB2_3:
0x3b: {  	[sflag:s4] =	ssyncadd.s32 $0xFFFFE800  }
.LBB2_4:
0x3c: {  	_ =	sfence.sel $0x180000  }
0x3d: {  	[bflag:$0x0] =	sbarrier.arrive $0xFFFF  }
0x3e: {  	p0 =	sne.s32 s1, $0x0;
	_ =	strace $0x90000047  }
0x3f: {  	s0 =	sadd.s32 @!p0 $0x100000, s0;
	[bflag:$0x2] =	sbarrier.arrive $0xFFFF  }
0x40: {  	[sflag:s0] =	ssyncadd.tile.s32 @!p0 $0x1;
	_ =	shalt  }
.Lfunc_end2:
_tile_overlayer_lowered:
.L_overlay_start_2:
0x41: {  	(tag) =	ssettag $0x2  }
0x42: {  	s0 =	rddreg [dreg:$0x0];
	s2 =	stileid.u32  }
0x43: {  	s1 =	rddreg [dreg:$0x1];
	p0 =	sne.s32 s2, $0x0  }
0x44: {  	s3 =	rddreg [dreg:$0x2];
	[bflag:$0x3] =	sbarrier.arrive $0xFFFF;
	s2 =	simm.s32 @!p0 $0x1C02  }
0x45: {  	[timem:s3], [sflag:s2] =	dma.local @!p0 [hbm:s0], s1  }
0x46: {  	s0 =	simm.s32 @!p0 $0x2  }
0x47: {  	_ =	swait.ge @!p0 [sflag:s0], s1  }
0x48: {  	s1 =	ssub.s32 @!p0 $0x0, s1;
	[sflag:s0] =	ssyncset.done @!p0 $0x0  }
0x49: {  	[sflag:s0] =	ssyncadd.s32 @!p0 s1  }
0x4a: {  	[bflag:$0x3] =	sbarrier.arrive $0xFFFF  }
0x4b: {  	_ =	shalt  }

</sc_bundles>
